<compile_context>
chip_gen: v7x
topology: tpu7x:2x2x1
jax: 0.10.2.dev20260603
libtpu: 0.0.44.dev20260713+nightly
codegen_flags: <defaults>
</compile_context>

<pallas_src>
import dataclasses
import functools

import jax
import jax.numpy as jnp
from jax import lax
from jax.experimental import pallas as pl
from jax.experimental.pallas import tpu as pltpu
from jax.experimental.pallas import tpu_sc as plsc

D_MODEL = 32
W = 128
NC, NS = 2, 16
NW = NC * NS
QUAD = 128
def kernel(x, table):
    b, s, f = x.shape
    n = b * s * f
    idx = jnp.transpose(x, (2, 1, 0)).reshape(n).astype(jnp.int32)
    vocab = table.shape[0]
    table4 = table.reshape(vocab // 4, QUAD)

    b_per_w = n // NW
    n_blocks = b_per_w // W
    bblocks = b // W
    d_out = f * D_MODEL

    mesh = plsc.VectorSubcoreMesh(core_axis_name="core", subcore_axis_name="subcore")
    cp = pltpu.CompilerParams()
    if "needs_layout_passes" in pltpu.CompilerParams.__dataclass_fields__:
        cp = dataclasses.replace(cp, needs_layout_passes=False)

    @functools.partial(
        pl.kernel,
        mesh=mesh,
        compiler_params=cp,
        out_type=jax.ShapeDtypeStruct((s, d_out, b), table.dtype),
        scratch_types=[
            pltpu.VMEM((b_per_w,), jnp.int32),
            pltpu.VMEM((b_per_w,), jnp.int32),
            pltpu.VMEM((W, QUAD), jnp.float32),
            pltpu.VMEM((W, QUAD), jnp.float32),
            pltpu.VMEM((D_MODEL, W), jnp.float32),
            pltpu.VMEM((D_MODEL, W), jnp.float32),
            pltpu.SemaphoreType.DMA,
            pltpu.SemaphoreType.DMA,
            pltpu.SemaphoreType.DMA,
            pltpu.SemaphoreType.DMA,
        ],
    )
    def gather_kernel(
        table4_hbm, idx_hbm, out_hbm,
        idx_v, gidx_v, rows0, rows1, out0, out1,
        gsem0, gsem1, osem0, osem1,
    ):
        wid = lax.axis_index("subcore") * NC + lax.axis_index("core")
        base = wid * b_per_w
        jbase = wid * n_blocks
        pltpu.sync_copy(idx_hbm.at[pl.ds(base, b_per_w)], idx_v)

        lane16 = lax.iota(jnp.int32, 16)

        @pl.loop(0, b_per_w, step=16)
        def _(i):
            gidx_v[pl.ds(i, 16)] = lax.shift_right_logical(idx_v[pl.ds(i, 16)], 2)

        def fire_gather(g, rows, gsem):
            pltpu.async_copy(
                table4_hbm.at[gidx_v.at[pl.ds(g * W, W)]], rows, gsem
            )

        def wait_gather(g, rows, gsem):
            pltpu.make_async_copy(
                table4_hbm.at[gidx_v.at[pl.ds(g * W, W)]], rows, gsem
            ).wait()

        def out_slice(g):
            j = jbase + g
            f0 = j // (s * bblocks)
            r = j - f0 * (s * bblocks)
            s0 = r // bblocks
            bblk = r - s0 * bblocks
            return out_hbm.at[s0, pl.ds(f0 * D_MODEL, D_MODEL), pl.ds(bblk * W, W)]

        def fire_store(g, out_v, osem):
            pltpu.async_copy(out_v, out_slice(g), osem)

        def wait_store(g, out_v, osem):
            pltpu.make_async_copy(out_v, out_slice(g), osem).wait()

        def select(g, rows, out_v):
            @pl.loop(0, W, step=16)
            def _(r0):
                t = idx_v[pl.ds(g * W + r0, 16)]
                cbase = (t & 3) * D_MODEL
                rvec = lane16 + r0
                for c0 in range(0, D_MODEL, 16):
                    vals = [
                        plsc.load_gather(rows, [rvec, cbase + (c0 + k)])
                        for k in range(16)
                    ]
                    for k in range(16):
                        out_v[c0 + k, pl.ds(r0, 16)] = vals[k]

        fire_gather(0, rows0, gsem0)
        fire_gather(1, rows1, gsem1)

        @pl.loop(0, n_blocks, step=2)
        def _(g):
            wait_gather(g, rows0, gsem0)

            @pl.when(g > 0)
            def _():
                wait_store(g - 2, out0, osem0)

            select(g, rows0, out0)
            fire_store(g, out0, osem0)

            @pl.when(g + 2 < n_blocks)
            def _():
                fire_gather(g + 2, rows0, gsem0)

            wait_gather(g + 1, rows1, gsem1)

            @pl.when(g > 0)
            def _():
                wait_store(g - 1, out1, osem1)

            select(g + 1, rows1, out1)
            fire_store(g + 1, out1, osem1)

            @pl.when(g + 3 < n_blocks)
            def _():
                fire_gather(g + 3, rows1, gsem1)

        wait_store(n_blocks - 2, out0, osem0)
        wait_store(n_blocks - 1, out1, osem1)

    out3 = gather_kernel(table4, idx)
    return jnp.transpose(out3, (2, 0, 1))

# --- scband reference (transcript-rebuilt; emitter-appended) ---
"""Pipeline reference for scband-token-embedding-lookup-89455578841382 (READ-ONLY COPY).

The authoritative reference and input builder live on the scoring server;
editing this copy changes nothing except your own understanding.
"""

import jax, jax.numpy as jnp
import numpy as np

VOCAB = 1000000
D_MODEL = 32
B, S, F = 1024, 20, 26


def setup_inputs(seed: int = 0) -> dict:
    key = jax.random.key(seed)
    k1, k2 = jax.random.split(key)
    x = jax.random.randint(k1, (B, S, F), 0, VOCAB, dtype=jnp.int64) if jax.config.jax_enable_x64 else jax.random.randint(k1, (B, S, F), 0, VOCAB, dtype=jnp.int32)
    table = jax.random.normal(k2, (VOCAB, D_MODEL), dtype=jnp.float32)
    return {"x": x, "table": table}


def reference(x, table):
    # x: int[B, S, F] token ids; table: float32[VOCAB, D_MODEL]
    b, s, f = x.shape
    x2 = x.reshape(b * s, f)
    x_out = jnp.take(table, x2, axis=0)  # [B*S, F, D_MODEL]
    x_out = x_out.reshape(b, s, -1)      # [B, S, F*D_MODEL]
    return x_out

if __name__ == "__main__":
    import jax
    _d = setup_inputs()
    print(jax.jit(kernel)(*tuple(_d.values())))

</pallas_src>

<mosaic_0001>
#map = affine_map<(d0, d1) -> (0, 0)>
#map1 = affine_map<(d0, d1) -> (0)>
#map2 = affine_map<(d0, d1) -> (0, 0, 0)>
module attributes {stable_mosaic.version = 14 : i64} {
  func.func @gather_kernel(%arg0: i32, %arg1: i32, %arg2: memref<250000x128xf32, #tpu.memory_space<hbm>>, %arg3: memref<532480xi32, #tpu.memory_space<hbm>>, %arg4: memref<20x832x1024xf32, #tpu.memory_space<hbm>>, %arg5: memref<16640xi32, #tpu.memory_space<vmem>>, %arg6: memref<16640xi32, #tpu.memory_space<vmem>>, %arg7: memref<128x128xf32, #tpu.memory_space<vmem>>, %arg8: memref<128x128xf32, #tpu.memory_space<vmem>>, %arg9: memref<32x128xf32, #tpu.memory_space<vmem>>, %arg10: memref<32x128xf32, #tpu.memory_space<vmem>>, %arg11: memref<!tpu.dma_semaphore, #tpu.memory_space<semaphore_mem>>, %arg12: memref<!tpu.dma_semaphore, #tpu.memory_space<semaphore_mem>>, %arg13: memref<!tpu.dma_semaphore, #tpu.memory_space<semaphore_mem>>, %arg14: memref<!tpu.dma_semaphore, #tpu.memory_space<semaphore_mem>>) attributes {dimension_semantics = [#tpu.dimension_semantics<core_parallel>, #tpu.dimension_semantics<subcore_parallel>], iteration_bounds = array<i64: 2, 16>, scalar_prefetch = 0 : i64, scratch_operands = 10 : i64, tpu.core_type = #tpu.core_type<sc_vector_subcore>, window_params = [{transform_indices = #map}, {transform_indices = #map1}, {transform_indices = #map2}]} {
    %mul3A = arith.constant 2 : i32
    %mul3A_0 = arith.muli %arg1, %mul3A : i32
    %add3A = arith.addi %mul3A_0, %arg0 : i32
    %mul3A_1 = arith.constant 16640 : i32
    %mul3A_2 = arith.muli %add3A, %mul3A_1 : i32
    %mul3A_3 = arith.constant 130 : i32
    %mul3A_4 = arith.muli %add3A, %mul3A_3 : i32
    "tpu.region"() ({
      %run_scoped3A = tpu.sem_alloc : memref<!tpu.dma_semaphore, #tpu.memory_space<semaphore_mem>>
      %dma_start3A_142 = tpu.memref_slice %arg3[%mul3A_2] : memref<532480xi32, #tpu.memory_space<hbm>> -> memref<16640xi32, #tpu.memory_space<hbm>>
      %dma_start3A_143 = tpu.memref_slice %arg3[%mul3A_2] : memref<532480xi32, #tpu.memory_space<hbm>> -> memref<16640xi32, #tpu.memory_space<hbm>>
      tpu.enqueue_dma source(%dma_start3A_143 : memref<16640xi32, #tpu.memory_space<hbm>>) target(%arg5 : memref<16640xi32, #tpu.memory_space<vmem>>) target_semaphore(%run_scoped3A : memref<!tpu.dma_semaphore, #tpu.memory_space<semaphore_mem>>)
      %dma_wait3A_144 = tpu.memref_slice %arg3[%mul3A_2] : memref<532480xi32, #tpu.memory_space<hbm>> -> memref<16640xi32, #tpu.memory_space<hbm>>
      %dma_wait3A_145 = tpu.memref_slice %arg3[%mul3A_2] : memref<532480xi32, #tpu.memory_space<hbm>> -> memref<16640xi32, #tpu.memory_space<hbm>>
      tpu.wait_dma2 semaphore(%run_scoped3A : memref<!tpu.dma_semaphore, #tpu.memory_space<semaphore_mem>>) src(%dma_wait3A_145 : memref<16640xi32, #tpu.memory_space<hbm>>) dst(%arg5 : memref<16640xi32, #tpu.memory_space<vmem>>)
      tpu.yield
    }) : () -> ()
    %iota3A = tpu.iota {dimensions = array<i32: 0>} : vector<16xi32>
    %scan3A = arith.constant 0 : i32
    %scan3A_5 = arith.constant 1040 : i32
    %scan3A_6 = arith.addi %scan3A, %scan3A_5 : i32
    %scan3A_7 = arith.constant 1 : i32
    scf.for %scan3A_142 = %scan3A to %scan3A_6 step %scan3A_7  : i32 {
      %mul3A_143 = arith.constant 16 : i32
      %mul3A_144 = arith.muli %scan3A_142, %mul3A_143 : i32
      %add3A_145 = arith.constant 0 : i32
      %add3A_146 = arith.addi %add3A_145, %mul3A_144 : i32
      %get3A = arith.index_cast %add3A_146 : i32 to index
      %get3A_147 = tpu.vector_load %arg5[%get3A] {strides = array<i32>} : memref<16640xi32, #tpu.memory_space<vmem>>, vector<16xi32>,
      %shift_right_logical3A = arith.constant 2 : i32
      %shift_right_logical3A_148 = vector.broadcast %shift_right_logical3A : i32 to vector<16xi32>
      %shift_right_logical3A_149 = arith.shrui %get3A_147, %shift_right_logical3A_148 : vector<16xi32>
      %swap3A = arith.index_cast %add3A_146 : i32 to index
      %swap3A_150 = tpu.vector_load %arg6[%swap3A] {strides = array<i32>} : memref<16640xi32, #tpu.memory_space<vmem>>, vector<16xi32>,
      tpu.vector_store %arg6[%swap3A], %shift_right_logical3A_149 {strides = array<i32>} : memref<16640xi32, #tpu.memory_space<vmem>>, vector<16xi32>,
    }
    %scan3A_8 = arith.constant 1040 : i32
    %dma_start3A = arith.constant 0 : i32
    %dma_start3A_9 = tpu.memref_slice %arg6[%dma_start3A] : memref<16640xi32, #tpu.memory_space<vmem>> -> memref<128xi32, #tpu.memory_space<vmem>>
    %dma_start3A_10 = arith.constant 0 : i32
    %dma_start3A_11 = arith.constant 0 : i32
    %dma_start3A_12 = tpu.memref_slice %arg2[%dma_start3A_10, %dma_start3A_11] : memref<250000x128xf32, #tpu.memory_space<hbm>> -> memref<250000x128xf32, #tpu.memory_space<hbm>>
    tpu.enqueue_indirect_dma source(%dma_start3A_12 : memref<250000x128xf32, #tpu.memory_space<hbm>>) target(%arg7 : memref<128x128xf32, #tpu.memory_space<vmem>>) offsets(%dma_start3A_9 : memref<128xi32, #tpu.memory_space<vmem>>) semaphore(%arg11 : memref<!tpu.dma_semaphore, #tpu.memory_space<semaphore_mem>>)
    %dma_start3A_13 = arith.constant 128 : i32
    %dma_start3A_14 = tpu.memref_slice %arg6[%dma_start3A_13] : memref<16640xi32, #tpu.memory_space<vmem>> -> memref<128xi32, #tpu.memory_space<vmem>>
    %dma_start3A_15 = arith.constant 0 : i32
    %dma_start3A_16 = arith.constant 0 : i32
    %dma_start3A_17 = tpu.memref_slice %arg2[%dma_start3A_15, %dma_start3A_16] : memref<250000x128xf32, #tpu.memory_space<hbm>> -> memref<250000x128xf32, #tpu.memory_space<hbm>>
    tpu.enqueue_indirect_dma source(%dma_start3A_17 : memref<250000x128xf32, #tpu.memory_space<hbm>>) target(%arg8 : memref<128x128xf32, #tpu.memory_space<vmem>>) offsets(%dma_start3A_14 : memref<128xi32, #tpu.memory_space<vmem>>) semaphore(%arg12 : memref<!tpu.dma_semaphore, #tpu.memory_space<semaphore_mem>>)
    %scan3A_18 = arith.constant 0 : i32
    %scan3A_19 = arith.constant 65 : i32
    %scan3A_20 = arith.addi %scan3A_18, %scan3A_19 : i32
    %scan3A_21 = arith.constant 1 : i32
    scf.for %scan3A_142 = %scan3A_18 to %scan3A_20 step %scan3A_21  : i32 {
      %mul3A_143 = arith.constant 2 : i32
      %mul3A_144 = arith.muli %scan3A_142, %mul3A_143 : i32
      %add3A_145 = arith.constant 0 : i32
      %add3A_146 = arith.addi %add3A_145, %mul3A_144 : i32
      %mul3A_147 = arith.constant 128 : i32
      %mul3A_148 = arith.muli %add3A_146, %mul3A_147 : i32
      %dma_wait3A_149 = tpu.memref_slice %arg6[%mul3A_148] : memref<16640xi32, #tpu.memory_space<vmem>> -> memref<128xi32, #tpu.memory_space<vmem>>
      %dma_wait3A_150 = arith.constant 0 : i32
      %dma_wait3A_151 = arith.constant 0 : i32
      %dma_wait3A_152 = tpu.memref_slice %arg2[%dma_wait3A_150, %dma_wait3A_151] : memref<250000x128xf32, #tpu.memory_space<hbm>> -> memref<250000x128xf32, #tpu.memory_space<hbm>>
      tpu.wait_indirect_dma semaphore(%arg11 : memref<!tpu.dma_semaphore, #tpu.memory_space<semaphore_mem>>) src(%dma_wait3A_152 : memref<250000x128xf32, #tpu.memory_space<hbm>>) dst(%arg7 : memref<128x128xf32, #tpu.memory_space<vmem>>)
      %gt3A = arith.constant 0 : i32
      %gt3A_153 = arith.cmpi sgt, %add3A_146, %gt3A : i32
      %convert_element_type3A = arith.extui %gt3A_153 : i1 to i32
      %cond3A = arith.constant 0 : i32
      %cond3A_154 = arith.cmpi ne, %convert_element_type3A, %cond3A : i32
      scf.if %cond3A_154 {
        %sub3A_321 = arith.constant 2 : i32
        %sub3A_322 = arith.subi %add3A_146, %sub3A_321 : i32
        %add3A_323 = arith.addi %mul3A_4, %sub3A_322 : i32
        %jit3A_324 = arith.constant 160 : i32
        %div3A_325 = arith.divsi %add3A_323, %jit3A_324 : i32
        %sign3A_326 = arith.constant 0 : i32
        %sign3A_327 = arith.cmpi sgt, %add3A_323, %sign3A_326 : i32
        %sign3A_328 = arith.extui %sign3A_327 : i1 to i32
        %sign3A_329 = arith.constant 0 : i32
        %sign3A_330 = arith.cmpi slt, %add3A_323, %sign3A_329 : i32
        %sign3A_331 = arith.extui %sign3A_330 : i1 to i32
        %sign3A_332 = arith.subi %sign3A_328, %sign3A_331 : i32
        %sign3A_333 = arith.constant 0 : i32
        %sign3A_334 = arith.cmpi sgt, %jit3A_324, %sign3A_333 : i32
        %sign3A_335 = arith.extui %sign3A_334 : i1 to i32
        %sign3A_336 = arith.constant 0 : i32
        %sign3A_337 = arith.cmpi slt, %jit3A_324, %sign3A_336 : i32
        %sign3A_338 = arith.extui %sign3A_337 : i1 to i32
        %sign3A_339 = arith.subi %sign3A_335, %sign3A_338 : i32
        %ne3A_340 = arith.cmpi ne, %sign3A_332, %sign3A_339 : i32
        %rem3A_341 = arith.remsi %add3A_323, %jit3A_324 : i32
        %ne3A_342 = arith.constant 0 : i32
        %ne3A_343 = arith.cmpi ne, %rem3A_341, %ne3A_342 : i32
        %and3A_344 = arith.andi %ne3A_340, %ne3A_343 : i1
        %sub3A_345 = arith.constant 1 : i32
        %sub3A_346 = arith.subi %div3A_325, %sub3A_345 : i32
        %select_n3A_347 = arith.select %and3A_344, %sub3A_346, %div3A_325 : i32
        %mul3A_348 = arith.constant 160 : i32
        %mul3A_349 = arith.muli %select_n3A_347, %mul3A_348 : i32
        %sub3A_350 = arith.subi %add3A_323, %mul3A_349 : i32
        %jit3A_351 = arith.constant 8 : i32
        %div3A_352 = arith.divsi %sub3A_350, %jit3A_351 : i32
        %sign3A_353 = arith.constant 0 : i32
        %sign3A_354 = arith.cmpi sgt, %sub3A_350, %sign3A_353 : i32
        %sign3A_355 = arith.extui %sign3A_354 : i1 to i32
        %sign3A_356 = arith.constant 0 : i32
        %sign3A_357 = arith.cmpi slt, %sub3A_350, %sign3A_356 : i32
        %sign3A_358 = arith.extui %sign3A_357 : i1 to i32
        %sign3A_359 = arith.subi %sign3A_355, %sign3A_358 : i32
        %sign3A_360 = arith.constant 0 : i32
        %sign3A_361 = arith.cmpi sgt, %jit3A_351, %sign3A_360 : i32
        %sign3A_362 = arith.extui %sign3A_361 : i1 to i32
        %sign3A_363 = arith.constant 0 : i32
        %sign3A_364 = arith.cmpi slt, %jit3A_351, %sign3A_363 : i32
        %sign3A_365 = arith.extui %sign3A_364 : i1 to i32
        %sign3A_366 = arith.subi %sign3A_362, %sign3A_365 : i32
        %ne3A_367 = arith.cmpi ne, %sign3A_359, %sign3A_366 : i32
        %rem3A_368 = arith.remsi %sub3A_350, %jit3A_351 : i32
        %ne3A_369 = arith.constant 0 : i32
        %ne3A_370 = arith.cmpi ne, %rem3A_368, %ne3A_369 : i32
        %and3A_371 = arith.andi %ne3A_367, %ne3A_370 : i1
        %sub3A_372 = arith.constant 1 : i32
        %sub3A_373 = arith.subi %div3A_352, %sub3A_372 : i32
        %select_n3A_374 = arith.select %and3A_371, %sub3A_373, %div3A_352 : i32
        %mul3A_375 = arith.constant 8 : i32
        %mul3A_376 = arith.muli %select_n3A_374, %mul3A_375 : i32
        %sub3A_377 = arith.subi %sub3A_350, %mul3A_376 : i32
        %mul3A_378 = arith.constant 32 : i32
        %mul3A_379 = arith.muli %select_n3A_347, %mul3A_378 : i32
        %mul3A_380 = arith.constant 128 : i32
        %mul3A_381 = arith.muli %sub3A_377, %mul3A_380 : i32
        %dma_wait3A_382 = tpu.memref_slice %arg4[%select_n3A_374, %mul3A_379, %mul3A_381] : memref<20x832x1024xf32, #tpu.memory_space<hbm>> -> memref<1x32x128xf32, #tpu.memory_space<hbm>>
        %dma_wait3A_383 = tpu.memref_squeeze %dma_wait3A_382 : memref<1x32x128xf32, #tpu.memory_space<hbm>> -> memref<32x128xf32, #tpu.memory_space<hbm>>
        %dma_wait3A_384 = tpu.memref_slice %arg4[%select_n3A_374, %mul3A_379, %mul3A_381] : memref<20x832x1024xf32, #tpu.memory_space<hbm>> -> memref<1x32x128xf32, #tpu.memory_space<hbm>>
        %dma_wait3A_385 = tpu.memref_squeeze %dma_wait3A_384 : memref<1x32x128xf32, #tpu.memory_space<hbm>> -> memref<32x128xf32, #tpu.memory_space<hbm>>
        tpu.wait_dma2 semaphore(%arg13 : memref<!tpu.dma_semaphore, #tpu.memory_space<semaphore_mem>>) src(%arg9 : memref<32x128xf32, #tpu.memory_space<vmem>>) dst(%dma_wait3A_385 : memref<32x128xf32, #tpu.memory_space<hbm>>)
      } else {
      }
      %scan3A_155 = arith.constant 0 : i32
      %scan3A_156 = arith.constant 8 : i32
      %scan3A_157 = arith.addi %scan3A_155, %scan3A_156 : i32
      %scan3A_158 = arith.constant 1 : i32
      scf.for %scan3A_321 = %scan3A_155 to %scan3A_157 step %scan3A_158  : i32 {
        %mul3A_322 = arith.constant 16 : i32
        %mul3A_323 = arith.muli %scan3A_321, %mul3A_322 : i32
        %add3A_324 = arith.constant 0 : i32
        %add3A_325 = arith.addi %add3A_324, %mul3A_323 : i32
        %mul3A_326 = arith.constant 128 : i32
        %mul3A_327 = arith.muli %add3A_146, %mul3A_326 : i32
        %add3A_328 = arith.addi %mul3A_327, %add3A_325 : i32
        %get3A = arith.index_cast %add3A_328 : i32 to index
        %get3A_329 = tpu.vector_load %arg5[%get3A] {strides = array<i32>} : memref<16640xi32, #tpu.memory_space<vmem>>, vector<16xi32>,
        %and3A_330 = arith.constant 3 : i32
        %and3A_331 = vector.broadcast %and3A_330 : i32 to vector<16xi32>
        %and3A_332 = arith.andi %get3A_329, %and3A_331 : vector<16xi32>
        %mul3A_333 = arith.constant 32 : i32
        %mul3A_334 = vector.broadcast %mul3A_333 : i32 to vector<16xi32>
        %mul3A_335 = arith.muli %and3A_332, %mul3A_334 : vector<16xi32>
        %add3A_336 = vector.broadcast %add3A_325 : i32 to vector<16xi32>
        %add3A_337 = arith.addi %iota3A, %add3A_336 : vector<16xi32>
        %add3A_338 = arith.constant 0 : i32
        %add3A_339 = vector.broadcast %add3A_338 : i32 to vector<16xi32>
        %add3A_340 = arith.addi %mul3A_335, %add3A_339 : vector<16xi32>
        %gather3A = tpu.vector_load_idx %arg7[%add3A_337, %add3A_340] : memref<128x128xf32, #tpu.memory_space<vmem>>[vector<16xi32>, vector<16xi32>], vector<16xf32>,
        %add3A_341 = arith.constant 1 : i32
        %add3A_342 = vector.broadcast %add3A_341 : i32 to vector<16xi32>
        %add3A_343 = arith.addi %mul3A_335, %add3A_342 : vector<16xi32>
        %gather3A_344 = tpu.vector_load_idx %arg7[%add3A_337, %add3A_343] : memref<128x128xf32, #tpu.memory_space<vmem>>[vector<16xi32>, vector<16xi32>], vector<16xf32>,
        %add3A_345 = arith.constant 2 : i32
        %add3A_346 = vector.broadcast %add3A_345 : i32 to vector<16xi32>
        %add3A_347 = arith.addi %mul3A_335, %add3A_346 : vector<16xi32>
        %gather3A_348 = tpu.vector_load_idx %arg7[%add3A_337, %add3A_347] : memref<128x128xf32, #tpu.memory_space<vmem>>[vector<16xi32>, vector<16xi32>], vector<16xf32>,
        %add3A_349 = arith.constant 3 : i32
        %add3A_350 = vector.broadcast %add3A_349 : i32 to vector<16xi32>
        %add3A_351 = arith.addi %mul3A_335, %add3A_350 : vector<16xi32>
        %gather3A_352 = tpu.vector_load_idx %arg7[%add3A_337, %add3A_351] : memref<128x128xf32, #tpu.memory_space<vmem>>[vector<16xi32>, vector<16xi32>], vector<16xf32>,
        %add3A_353 = arith.constant 4 : i32
        %add3A_354 = vector.broadcast %add3A_353 : i32 to vector<16xi32>
        %add3A_355 = arith.addi %mul3A_335, %add3A_354 : vector<16xi32>
        %gather3A_356 = tpu.vector_load_idx %arg7[%add3A_337, %add3A_355] : memref<128x128xf32, #tpu.memory_space<vmem>>[vector<16xi32>, vector<16xi32>], vector<16xf32>,
        %add3A_357 = arith.constant 5 : i32
        %add3A_358 = vector.broadcast %add3A_357 : i32 to vector<16xi32>
        %add3A_359 = arith.addi %mul3A_335, %add3A_358 : vector<16xi32>
        %gather3A_360 = tpu.vector_load_idx %arg7[%add3A_337, %add3A_359] : memref<128x128xf32, #tpu.memory_space<vmem>>[vector<16xi32>, vector<16xi32>], vector<16xf32>,
        %add3A_361 = arith.constant 6 : i32
        %add3A_362 = vector.broadcast %add3A_361 : i32 to vector<16xi32>
        %add3A_363 = arith.addi %mul3A_335, %add3A_362 : vector<16xi32>
        %gather3A_364 = tpu.vector_load_idx %arg7[%add3A_337, %add3A_363] : memref<128x128xf32, #tpu.memory_space<vmem>>[vector<16xi32>, vector<16xi32>], vector<16xf32>,
        %add3A_365 = arith.constant 7 : i32
        %add3A_366 = vector.broadcast %add3A_365 : i32 to vector<16xi32>
        %add3A_367 = arith.addi %mul3A_335, %add3A_366 : vector<16xi32>
        %gather3A_368 = tpu.vector_load_idx %arg7[%add3A_337, %add3A_367] : memref<128x128xf32, #tpu.memory_space<vmem>>[vector<16xi32>, vector<16xi32>], vector<16xf32>,
        %add3A_369 = arith.constant 8 : i32
        %add3A_370 = vector.broadcast %add3A_369 : i32 to vector<16xi32>
        %add3A_371 = arith.addi %mul3A_335, %add3A_370 : vector<16xi32>
        %gather3A_372 = tpu.vector_load_idx %arg7[%add3A_337, %add3A_371] : memref<128x128xf32, #tpu.memory_space<vmem>>[vector<16xi32>, vector<16xi32>], vector<16xf32>,
        %add3A_373 = arith.constant 9 : i32
        %add3A_374 = vector.broadcast %add3A_373 : i32 to vector<16xi32>
        %add3A_375 = arith.addi %mul3A_335, %add3A_374 : vector<16xi32>
        %gather3A_376 = tpu.vector_load_idx %arg7[%add3A_337, %add3A_375] : memref<128x128xf32, #tpu.memory_space<vmem>>[vector<16xi32>, vector<16xi32>], vector<16xf32>,
        %add3A_377 = arith.constant 10 : i32
        %add3A_378 = vector.broadcast %add3A_377 : i32 to vector<16xi32>
        %add3A_379 = arith.addi %mul3A_335, %add3A_378 : vector<16xi32>
        %gather3A_380 = tpu.vector_load_idx %arg7[%add3A_337, %add3A_379] : memref<128x128xf32, #tpu.memory_space<vmem>>[vector<16xi32>, vector<16xi32>], vector<16xf32>,
        %add3A_381 = arith.constant 11 : i32
        %add3A_382 = vector.broadcast %add3A_381 : i32 to vector<16xi32>
        %add3A_383 = arith.addi %mul3A_335, %add3A_382 : vector<16xi32>
        %gather3A_384 = tpu.vector_load_idx %arg7[%add3A_337, %add3A_383] : memref<128x128xf32, #tpu.memory_space<vmem>>[vector<16xi32>, vector<16xi32>], vector<16xf32>,
        %add3A_385 = arith.constant 12 : i32
        %add3A_386 = vector.broadcast %add3A_385 : i32 to vector<16xi32>
        %add3A_387 = arith.addi %mul3A_335, %add3A_386 : vector<16xi32>
        %gather3A_388 = tpu.vector_load_idx %arg7[%add3A_337, %add3A_387] : memref<128x128xf32, #tpu.memory_space<vmem>>[vector<16xi32>, vector<16xi32>], vector<16xf32>,
        %add3A_389 = arith.constant 13 : i32
        %add3A_390 = vector.broadcast %add3A_389 : i32 to vector<16xi32>
        %add3A_391 = arith.addi %mul3A_335, %add3A_390 : vector<16xi32>
        %gather3A_392 = tpu.vector_load_idx %arg7[%add3A_337, %add3A_391] : memref<128x128xf32, #tpu.memory_space<vmem>>[vector<16xi32>, vector<16xi32>], vector<16xf32>,
        %add3A_393 = arith.constant 14 : i32
        %add3A_394 = vector.broadcast %add3A_393 : i32 to vector<16xi32>
        %add3A_395 = arith.addi %mul3A_335, %add3A_394 : vector<16xi32>
        %gather3A_396 = tpu.vector_load_idx %arg7[%add3A_337, %add3A_395] : memref<128x128xf32, #tpu.memory_space<vmem>>[vector<16xi32>, vector<16xi32>], vector<16xf32>,
        %add3A_397 = arith.constant 15 : i32
        %add3A_398 = vector.broadcast %add3A_397 : i32 to vector<16xi32>
        %add3A_399 = arith.addi %mul3A_335, %add3A_398 : vector<16xi32>
        %gather3A_400 = tpu.vector_load_idx %arg7[%add3A_337, %add3A_399] : memref<128x128xf32, #tpu.memory_space<vmem>>[vector<16xi32>, vector<16xi32>], vector<16xf32>,
        %swap3A = arith.constant 0 : i32
        %swap3A_401 = arith.index_cast %swap3A : i32 to index
        %swap3A_402 = arith.index_cast %add3A_325 : i32 to index
        %swap3A_403 = tpu.vector_load %arg9[%swap3A_401, %swap3A_402] {strides = array<i32>} : memref<32x128xf32, #tpu.memory_space<vmem>>, vector<16xf32>,
        tpu.vector_store %arg9[%swap3A_401, %swap3A_402], %gather3A {strides = array<i32>} : memref<32x128xf32, #tpu.memory_space<vmem>>, vector<16xf32>,
        %swap3A_404 = arith.constant 1 : i32
        %swap3A_405 = arith.index_cast %swap3A_404 : i32 to index
        %swap3A_406 = arith.index_cast %add3A_325 : i32 to index
        %swap3A_407 = tpu.vector_load %arg9[%swap3A_405, %swap3A_406] {strides = array<i32>} : memref<32x128xf32, #tpu.memory_space<vmem>>, vector<16xf32>,
        tpu.vector_store %arg9[%swap3A_405, %swap3A_406], %gather3A_344 {strides = array<i32>} : memref<32x128xf32, #tpu.memory_space<vmem>>, vector<16xf32>,
        %swap3A_408 = arith.constant 2 : i32
        %swap3A_409 = arith.index_cast %swap3A_408 : i32 to index
        %swap3A_410 = arith.index_cast %add3A_325 : i32 to index
        %swap3A_411 = tpu.vector_load %arg9[%swap3A_409, %swap3A_410] {strides = array<i32>} : memref<32x128xf32, #tpu.memory_space<vmem>>, vector<16xf32>,
        tpu.vector_store %arg9[%swap3A_409, %swap3A_410], %gather3A_348 {strides = array<i32>} : memref<32x128xf32, #tpu.memory_space<vmem>>, vector<16xf32>,
        %swap3A_412 = arith.constant 3 : i32
        %swap3A_413 = arith.index_cast %swap3A_412 : i32 to index
        %swap3A_414 = arith.index_cast %add3A_325 : i32 to index
        %swap3A_415 = tpu.vector_load %arg9[%swap3A_413, %swap3A_414] {strides = array<i32>} : memref<32x128xf32, #tpu.memory_space<vmem>>, vector<16xf32>,
        tpu.vector_store %arg9[%swap3A_413, %swap3A_414], %gather3A_352 {strides = array<i32>} : memref<32x128xf32, #tpu.memory_space<vmem>>, vector<16xf32>,
        %swap3A_416 = arith.constant 4 : i32
        %swap3A_417 = arith.index_cast %swap3A_416 : i32 to index
        %swap3A_418 = arith.index_cast %add3A_325 : i32 to index
        %swap3A_419 = tpu.vector_load %arg9[%swap3A_417, %swap3A_418] {strides = array<i32>} : memref<32x128xf32, #tpu.memory_space<vmem>>, vector<16xf32>,
        tpu.vector_store %arg9[%swap3A_417, %swap3A_418], %gather3A_356 {strides = array<i32>} : memref<32x128xf32, #tpu.memory_space<vmem>>, vector<16xf32>,
        %swap3A_420 = arith.constant 5 : i32
        %swap3A_421 = arith.index_cast %swap3A_420 : i32 to index
        %swap3A_422 = arith.index_cast %add3A_325 : i32 to index
        %swap3A_423 = tpu.vector_load %arg9[%swap3A_421, %swap3A_422] {strides = array<i32>} : memref<32x128xf32, #tpu.memory_space<vmem>>, vector<16xf32>,
        tpu.vector_store %arg9[%swap3A_421, %swap3A_422], %gather3A_360 {strides = array<i32>} : memref<32x128xf32, #tpu.memory_space<vmem>>, vector<16xf32>,
        %swap3A_424 = arith.constant 6 : i32
        %swap3A_425 = arith.index_cast %swap3A_424 : i32 to index
        %swap3A_426 = arith.index_cast %add3A_325 : i32 to index
        %swap3A_427 = tpu.vector_load %arg9[%swap3A_425, %swap3A_426] {strides = array<i32>} : memref<32x128xf32, #tpu.memory_space<vmem>>, vector<16xf32>,
        tpu.vector_store %arg9[%swap3A_425, %swap3A_426], %gather3A_364 {strides = array<i32>} : memref<32x128xf32, #tpu.memory_space<vmem>>, vector<16xf32>,
        %swap3A_428 = arith.constant 7 : i32
        %swap3A_429 = arith.index_cast %swap3A_428 : i32 to index
        %swap3A_430 = arith.index_cast %add3A_325 : i32 to index
        %swap3A_431 = tpu.vector_load %arg9[%swap3A_429, %swap3A_430] {strides = array<i32>} : memref<32x128xf32, #tpu.memory_space<vmem>>, vector<16xf32>,
        tpu.vector_store %arg9[%swap3A_429, %swap3A_430], %gather3A_368 {strides = array<i32>} : memref<32x128xf32, #tpu.memory_space<vmem>>, vector<16xf32>,
        %swap3A_432 = arith.constant 8 : i32
        %swap3A_433 = arith.index_cast %swap3A_432 : i32 to index
        %swap3A_434 = arith.index_cast %add3A_325 : i32 to index
        %swap3A_435 = tpu.vector_load %arg9[%swap3A_433, %swap3A_434] {strides = array<i32>} : memref<32x128xf32, #tpu.memory_space<vmem>>, vector<16xf32>,
        tpu.vector_store %arg9[%swap3A_433, %swap3A_434], %gather3A_372 {strides = array<i32>} : memref<32x128xf32, #tpu.memory_space<vmem>>, vector<16xf32>,
        %swap3A_436 = arith.constant 9 : i32
        %swap3A_437 = arith.index_cast %swap3A_436 : i32 to index
        %swap3A_438 = arith.index_cast %add3A_325 : i32 to index
        %swap3A_439 = tpu.vector_load %arg9[%swap3A_437, %swap3A_438] {strides = array<i32>} : memref<32x128xf32, #tpu.memory_space<vmem>>, vector<16xf32>,
        tpu.vector_store %arg9[%swap3A_437, %swap3A_438], %gather3A_376 {strides = array<i32>} : memref<32x128xf32, #tpu.memory_space<vmem>>, vector<16xf32>,
        %swap3A_440 = arith.constant 10 : i32
        %swap3A_441 = arith.index_cast %swap3A_440 : i32 to index
        %swap3A_442 = arith.index_cast %add3A_325 : i32 to index
        %swap3A_443 = tpu.vector_load %arg9[%swap3A_441, %swap3A_442] {strides = array<i32>} : memref<32x128xf32, #tpu.memory_space<vmem>>, vector<16xf32>,
        tpu.vector_store %arg9[%swap3A_441, %swap3A_442], %gather3A_380 {strides = array<i32>} : memref<32x128xf32, #tpu.memory_space<vmem>>, vector<16xf32>,
        %swap3A_444 = arith.constant 11 : i32
        %swap3A_445 = arith.index_cast %swap3A_444 : i32 to index
        %swap3A_446 = arith.index_cast %add3A_325 : i32 to index
        %swap3A_447 = tpu.vector_load %arg9[%swap3A_445, %swap3A_446] {strides = array<i32>} : memref<32x128xf32, #tpu.memory_space<vmem>>, vector<16xf32>,
        tpu.vector_store %arg9[%swap3A_445, %swap3A_446], %gather3A_384 {strides = array<i32>} : memref<32x128xf32, #tpu.memory_space<vmem>>, vector<16xf32>,
        %swap3A_448 = arith.constant 12 : i32
        %swap3A_449 = arith.index_cast %swap3A_448 : i32 to index
        %swap3A_450 = arith.index_cast %add3A_325 : i32 to index
        %swap3A_451 = tpu.vector_load %arg9[%swap3A_449, %swap3A_450] {strides = array<i32>} : memref<32x128xf32, #tpu.memory_space<vmem>>, vector<16xf32>,
        tpu.vector_store %arg9[%swap3A_449, %swap3A_450], %gather3A_388 {strides = array<i32>} : memref<32x128xf32, #tpu.memory_space<vmem>>, vector<16xf32>,
        %swap3A_452 = arith.constant 13 : i32
        %swap3A_453 = arith.index_cast %swap3A_452 : i32 to index
        %swap3A_454 = arith.index_cast %add3A_325 : i32 to index
        %swap3A_455 = tpu.vector_load %arg9[%swap3A_453, %swap3A_454] {strides = array<i32>} : memref<32x128xf32, #tpu.memory_space<vmem>>, vector<16xf32>,
        tpu.vector_store %arg9[%swap3A_453, %swap3A_454], %gather3A_392 {strides = array<i32>} : memref<32x128xf32, #tpu.memory_space<vmem>>, vector<16xf32>,
        %swap3A_456 = arith.constant 14 : i32
        %swap3A_457 = arith.index_cast %swap3A_456 : i32 to index
        %swap3A_458 = arith.index_cast %add3A_325 : i32 to index
        %swap3A_459 = tpu.vector_load %arg9[%swap3A_457, %swap3A_458] {strides = array<i32>} : memref<32x128xf32, #tpu.memory_space<vmem>>, vector<16xf32>,
        tpu.vector_store %arg9[%swap3A_457, %swap3A_458], %gather3A_396 {strides = array<i32>} : memref<32x128xf32, #tpu.memory_space<vmem>>, vector<16xf32>,
        %swap3A_460 = arith.constant 15 : i32
        %swap3A_461 = arith.index_cast %swap3A_460 : i32 to index
        %swap3A_462 = arith.index_cast %add3A_325 : i32 to index
        %swap3A_463 = tpu.vector_load %arg9[%swap3A_461, %swap3A_462] {strides = array<i32>} : memref<32x128xf32, #tpu.memory_space<vmem>>, vector<16xf32>,
        tpu.vector_store %arg9[%swap3A_461, %swap3A_462], %gather3A_400 {strides = array<i32>} : memref<32x128xf32, #tpu.memory_space<vmem>>, vector<16xf32>,
        %add3A_464 = arith.constant 16 : i32
        %add3A_465 = vector.broadcast %add3A_464 : i32 to vector<16xi32>
        %add3A_466 = arith.addi %mul3A_335, %add3A_465 : vector<16xi32>
        %gather3A_467 = tpu.vector_load_idx %arg7[%add3A_337, %add3A_466] : memref<128x128xf32, #tpu.memory_space<vmem>>[vector<16xi32>, vector<16xi32>], vector<16xf32>,
        %add3A_468 = arith.constant 17 : i32
        %add3A_469 = vector.broadcast %add3A_468 : i32 to vector<16xi32>
        %add3A_470 = arith.addi %mul3A_335, %add3A_469 : vector<16xi32>
        %gather3A_471 = tpu.vector_load_idx %arg7[%add3A_337, %add3A_470] : memref<128x128xf32, #tpu.memory_space<vmem>>[vector<16xi32>, vector<16xi32>], vector<16xf32>,
        %add3A_472 = arith.constant 18 : i32
        %add3A_473 = vector.broadcast %add3A_472 : i32 to vector<16xi32>
        %add3A_474 = arith.addi %mul3A_335, %add3A_473 : vector<16xi32>
        %gather3A_475 = tpu.vector_load_idx %arg7[%add3A_337, %add3A_474] : memref<128x128xf32, #tpu.memory_space<vmem>>[vector<16xi32>, vector<16xi32>], vector<16xf32>,
        %add3A_476 = arith.constant 19 : i32
        %add3A_477 = vector.broadcast %add3A_476 : i32 to vector<16xi32>
        %add3A_478 = arith.addi %mul3A_335, %add3A_477 : vector<16xi32>
        %gather3A_479 = tpu.vector_load_idx %arg7[%add3A_337, %add3A_478] : memref<128x128xf32, #tpu.memory_space<vmem>>[vector<16xi32>, vector<16xi32>], vector<16xf32>,
        %add3A_480 = arith.constant 20 : i32
        %add3A_481 = vector.broadcast %add3A_480 : i32 to vector<16xi32>
        %add3A_482 = arith.addi %mul3A_335, %add3A_481 : vector<16xi32>
        %gather3A_483 = tpu.vector_load_idx %arg7[%add3A_337, %add3A_482] : memref<128x128xf32, #tpu.memory_space<vmem>>[vector<16xi32>, vector<16xi32>], vector<16xf32>,
        %add3A_484 = arith.constant 21 : i32
        %add3A_485 = vector.broadcast %add3A_484 : i32 to vector<16xi32>
        %add3A_486 = arith.addi %mul3A_335, %add3A_485 : vector<16xi32>
        %gather3A_487 = tpu.vector_load_idx %arg7[%add3A_337, %add3A_486] : memref<128x128xf32, #tpu.memory_space<vmem>>[vector<16xi32>, vector<16xi32>], vector<16xf32>,
        %add3A_488 = arith.constant 22 : i32
        %add3A_489 = vector.broadcast %add3A_488 : i32 to vector<16xi32>
        %add3A_490 = arith.addi %mul3A_335, %add3A_489 : vector<16xi32>
        %gather3A_491 = tpu.vector_load_idx %arg7[%add3A_337, %add3A_490] : memref<128x128xf32, #tpu.memory_space<vmem>>[vector<16xi32>, vector<16xi32>], vector<16xf32>,
        %add3A_492 = arith.constant 23 : i32
        %add3A_493 = vector.broadcast %add3A_492 : i32 to vector<16xi32>
        %add3A_494 = arith.addi %mul3A_335, %add3A_493 : vector<16xi32>
        %gather3A_495 = tpu.vector_load_idx %arg7[%add3A_337, %add3A_494] : memref<128x128xf32, #tpu.memory_space<vmem>>[vector<16xi32>, vector<16xi32>], vector<16xf32>,
        %add3A_496 = arith.constant 24 : i32
        %add3A_497 = vector.broadcast %add3A_496 : i32 to vector<16xi32>
        %add3A_498 = arith.addi %mul3A_335, %add3A_497 : vector<16xi32>
        %gather3A_499 = tpu.vector_load_idx %arg7[%add3A_337, %add3A_498] : memref<128x128xf32, #tpu.memory_space<vmem>>[vector<16xi32>, vector<16xi32>], vector<16xf32>,
        %add3A_500 = arith.constant 25 : i32
        %add3A_501 = vector.broadcast %add3A_500 : i32 to vector<16xi32>
        %add3A_502 = arith.addi %mul3A_335, %add3A_501 : vector<16xi32>
        %gather3A_503 = tpu.vector_load_idx %arg7[%add3A_337, %add3A_502] : memref<128x128xf32, #tpu.memory_space<vmem>>[vector<16xi32>, vector<16xi32>], vector<16xf32>,
        %add3A_504 = arith.constant 26 : i32
        %add3A_505 = vector.broadcast %add3A_504 : i32 to vector<16xi32>
        %add3A_506 = arith.addi %mul3A_335, %add3A_505 : vector<16xi32>
        %gather3A_507 = tpu.vector_load_idx %arg7[%add3A_337, %add3A_506] : memref<128x128xf32, #tpu.memory_space<vmem>>[vector<16xi32>, vector<16xi32>], vector<16xf32>,
        %add3A_508 = arith.constant 27 : i32
        %add3A_509 = vector.broadcast %add3A_508 : i32 to vector<16xi32>
        %add3A_510 = arith.addi %mul3A_335, %add3A_509 : vector<16xi32>
        %gather3A_511 = tpu.vector_load_idx %arg7[%add3A_337, %add3A_510] : memref<128x128xf32, #tpu.memory_space<vmem>>[vector<16xi32>, vector<16xi32>], vector<16xf32>,
        %add3A_512 = arith.constant 28 : i32
        %add3A_513 = vector.broadcast %add3A_512 : i32 to vector<16xi32>
        %add3A_514 = arith.addi %mul3A_335, %add3A_513 : vector<16xi32>
        %gather3A_515 = tpu.vector_load_idx %arg7[%add3A_337, %add3A_514] : memref<128x128xf32, #tpu.memory_space<vmem>>[vector<16xi32>, vector<16xi32>], vector<16xf32>,
        %add3A_516 = arith.constant 29 : i32
        %add3A_517 = vector.broadcast %add3A_516 : i32 to vector<16xi32>
        %add3A_518 = arith.addi %mul3A_335, %add3A_517 : vector<16xi32>
        %gather3A_519 = tpu.vector_load_idx %arg7[%add3A_337, %add3A_518] : memref<128x128xf32, #tpu.memory_space<vmem>>[vector<16xi32>, vector<16xi32>], vector<16xf32>,
        %add3A_520 = arith.constant 30 : i32
        %add3A_521 = vector.broadcast %add3A_520 : i32 to vector<16xi32>
        %add3A_522 = arith.addi %mul3A_335, %add3A_521 : vector<16xi32>
        %gather3A_523 = tpu.vector_load_idx %arg7[%add3A_337, %add3A_522] : memref<128x128xf32, #tpu.memory_space<vmem>>[vector<16xi32>, vector<16xi32>], vector<16xf32>,
        %add3A_524 = arith.constant 31 : i32
        %add3A_525 = vector.broadcast %add3A_524 : i32 to vector<16xi32>
        %add3A_526 = arith.addi %mul3A_335, %add3A_525 : vector<16xi32>
        %gather3A_527 = tpu.vector_load_idx %arg7[%add3A_337, %add3A_526] : memref<128x128xf32, #tpu.memory_space<vmem>>[vector<16xi32>, vector<16xi32>], vector<16xf32>,
        %swap3A_528 = arith.constant 16 : i32
        %swap3A_529 = arith.index_cast %swap3A_528 : i32 to index
        %swap3A_530 = arith.index_cast %add3A_325 : i32 to index
        %swap3A_531 = tpu.vector_load %arg9[%swap3A_529, %swap3A_530] {strides = array<i32>} : memref<32x128xf32, #tpu.memory_space<vmem>>, vector<16xf32>,
        tpu.vector_store %arg9[%swap3A_529, %swap3A_530], %gather3A_467 {strides = array<i32>} : memref<32x128xf32, #tpu.memory_space<vmem>>, vector<16xf32>,
        %swap3A_532 = arith.constant 17 : i32
        %swap3A_533 = arith.index_cast %swap3A_532 : i32 to index
        %swap3A_534 = arith.index_cast %add3A_325 : i32 to index
        %swap3A_535 = tpu.vector_load %arg9[%swap3A_533, %swap3A_534] {strides = array<i32>} : memref<32x128xf32, #tpu.memory_space<vmem>>, vector<16xf32>,
        tpu.vector_store %arg9[%swap3A_533, %swap3A_534], %gather3A_471 {strides = array<i32>} : memref<32x128xf32, #tpu.memory_space<vmem>>, vector<16xf32>,
        %swap3A_536 = arith.constant 18 : i32
        %swap3A_537 = arith.index_cast %swap3A_536 : i32 to index
        %swap3A_538 = arith.index_cast %add3A_325 : i32 to index
        %swap3A_539 = tpu.vector_load %arg9[%swap3A_537, %swap3A_538] {strides = array<i32>} : memref<32x128xf32, #tpu.memory_space<vmem>>, vector<16xf32>,
        tpu.vector_store %arg9[%swap3A_537, %swap3A_538], %gather3A_475 {strides = array<i32>} : memref<32x128xf32, #tpu.memory_space<vmem>>, vector<16xf32>,
        %swap3A_540 = arith.constant 19 : i32
        %swap3A_541 = arith.index_cast %swap3A_540 : i32 to index
        %swap3A_542 = arith.index_cast %add3A_325 : i32 to index
        %swap3A_543 = tpu.vector_load %arg9[%swap3A_541, %swap3A_542] {strides = array<i32>} : memref<32x128xf32, #tpu.memory_space<vmem>>, vector<16xf32>,
        tpu.vector_store %arg9[%swap3A_541, %swap3A_542], %gather3A_479 {strides = array<i32>} : memref<32x128xf32, #tpu.memory_space<vmem>>, vector<16xf32>,
        %swap3A_544 = arith.constant 20 : i32
        %swap3A_545 = arith.index_cast %swap3A_544 : i32 to index
        %swap3A_546 = arith.index_cast %add3A_325 : i32 to index
        %swap3A_547 = tpu.vector_load %arg9[%swap3A_545, %swap3A_546] {strides = array<i32>} : memref<32x128xf32, #tpu.memory_space<vmem>>, vector<16xf32>,
        tpu.vector_store %arg9[%swap3A_545, %swap3A_546], %gather3A_483 {strides = array<i32>} : memref<32x128xf32, #tpu.memory_space<vmem>>, vector<16xf32>,
        %swap3A_548 = arith.constant 21 : i32
        %swap3A_549 = arith.index_cast %swap3A_548 : i32 to index
        %swap3A_550 = arith.index_cast %add3A_325 : i32 to index
        %swap3A_551 = tpu.vector_load %arg9[%swap3A_549, %swap3A_550] {strides = array<i32>} : memref<32x128xf32, #tpu.memory_space<vmem>>, vector<16xf32>,
        tpu.vector_store %arg9[%swap3A_549, %swap3A_550], %gather3A_487 {strides = array<i32>} : memref<32x128xf32, #tpu.memory_space<vmem>>, vector<16xf32>,
        %swap3A_552 = arith.constant 22 : i32
        %swap3A_553 = arith.index_cast %swap3A_552 : i32 to index
        %swap3A_554 = arith.index_cast %add3A_325 : i32 to index
        %swap3A_555 = tpu.vector_load %arg9[%swap3A_553, %swap3A_554] {strides = array<i32>} : memref<32x128xf32, #tpu.memory_space<vmem>>, vector<16xf32>,
        tpu.vector_store %arg9[%swap3A_553, %swap3A_554], %gather3A_491 {strides = array<i32>} : memref<32x128xf32, #tpu.memory_space<vmem>>, vector<16xf32>,
        %swap3A_556 = arith.constant 23 : i32
        %swap3A_557 = arith.index_cast %swap3A_556 : i32 to index
        %swap3A_558 = arith.index_cast %add3A_325 : i32 to index
        %swap3A_559 = tpu.vector_load %arg9[%swap3A_557, %swap3A_558] {strides = array<i32>} : memref<32x128xf32, #tpu.memory_space<vmem>>, vector<16xf32>,
        tpu.vector_store %arg9[%swap3A_557, %swap3A_558], %gather3A_495 {strides = array<i32>} : memref<32x128xf32, #tpu.memory_space<vmem>>, vector<16xf32>,
        %swap3A_560 = arith.constant 24 : i32
        %swap3A_561 = arith.index_cast %swap3A_560 : i32 to index
        %swap3A_562 = arith.index_cast %add3A_325 : i32 to index
        %swap3A_563 = tpu.vector_load %arg9[%swap3A_561, %swap3A_562] {strides = array<i32>} : memref<32x128xf32, #tpu.memory_space<vmem>>, vector<16xf32>,
        tpu.vector_store %arg9[%swap3A_561, %swap3A_562], %gather3A_499 {strides = array<i32>} : memref<32x128xf32, #tpu.memory_space<vmem>>, vector<16xf32>,
        %swap3A_564 = arith.constant 25 : i32
        %swap3A_565 = arith.index_cast %swap3A_564 : i32 to index
        %swap3A_566 = arith.index_cast %add3A_325 : i32 to index
        %swap3A_567 = tpu.vector_load %arg9[%swap3A_565, %swap3A_566] {strides = array<i32>} : memref<32x128xf32, #tpu.memory_space<vmem>>, vector<16xf32>,
        tpu.vector_store %arg9[%swap3A_565, %swap3A_566], %gather3A_503 {strides = array<i32>} : memref<32x128xf32, #tpu.memory_space<vmem>>, vector<16xf32>,
        %swap3A_568 = arith.constant 26 : i32
        %swap3A_569 = arith.index_cast %swap3A_568 : i32 to index
        %swap3A_570 = arith.index_cast %add3A_325 : i32 to index
        %swap3A_571 = tpu.vector_load %arg9[%swap3A_569, %swap3A_570] {strides = array<i32>} : memref<32x128xf32, #tpu.memory_space<vmem>>, vector<16xf32>,
        tpu.vector_store %arg9[%swap3A_569, %swap3A_570], %gather3A_507 {strides = array<i32>} : memref<32x128xf32, #tpu.memory_space<vmem>>, vector<16xf32>,
        %swap3A_572 = arith.constant 27 : i32
        %swap3A_573 = arith.index_cast %swap3A_572 : i32 to index
        %swap3A_574 = arith.index_cast %add3A_325 : i32 to index
        %swap3A_575 = tpu.vector_load %arg9[%swap3A_573, %swap3A_574] {strides = array<i32>} : memref<32x128xf32, #tpu.memory_space<vmem>>, vector<16xf32>,
        tpu.vector_store %arg9[%swap3A_573, %swap3A_574], %gather3A_511 {strides = array<i32>} : memref<32x128xf32, #tpu.memory_space<vmem>>, vector<16xf32>,
        %swap3A_576 = arith.constant 28 : i32
        %swap3A_577 = arith.index_cast %swap3A_576 : i32 to index
        %swap3A_578 = arith.index_cast %add3A_325 : i32 to index
        %swap3A_579 = tpu.vector_load %arg9[%swap3A_577, %swap3A_578] {strides = array<i32>} : memref<32x128xf32, #tpu.memory_space<vmem>>, vector<16xf32>,
        tpu.vector_store %arg9[%swap3A_577, %swap3A_578], %gather3A_515 {strides = array<i32>} : memref<32x128xf32, #tpu.memory_space<vmem>>, vector<16xf32>,
        %swap3A_580 = arith.constant 29 : i32
        %swap3A_581 = arith.index_cast %swap3A_580 : i32 to index
        %swap3A_582 = arith.index_cast %add3A_325 : i32 to index
        %swap3A_583 = tpu.vector_load %arg9[%swap3A_581, %swap3A_582] {strides = array<i32>} : memref<32x128xf32, #tpu.memory_space<vmem>>, vector<16xf32>,
        tpu.vector_store %arg9[%swap3A_581, %swap3A_582], %gather3A_519 {strides = array<i32>} : memref<32x128xf32, #tpu.memory_space<vmem>>, vector<16xf32>,
        %swap3A_584 = arith.constant 30 : i32
        %swap3A_585 = arith.index_cast %swap3A_584 : i32 to index
        %swap3A_586 = arith.index_cast %add3A_325 : i32 to index
        %swap3A_587 = tpu.vector_load %arg9[%swap3A_585, %swap3A_586] {strides = array<i32>} : memref<32x128xf32, #tpu.memory_space<vmem>>, vector<16xf32>,
        tpu.vector_store %arg9[%swap3A_585, %swap3A_586], %gather3A_523 {strides = array<i32>} : memref<32x128xf32, #tpu.memory_space<vmem>>, vector<16xf32>,
        %swap3A_588 = arith.constant 31 : i32
        %swap3A_589 = arith.index_cast %swap3A_588 : i32 to index
        %swap3A_590 = arith.index_cast %add3A_325 : i32 to index
        %swap3A_591 = tpu.vector_load %arg9[%swap3A_589, %swap3A_590] {strides = array<i32>} : memref<32x128xf32, #tpu.memory_space<vmem>>, vector<16xf32>,
        tpu.vector_store %arg9[%swap3A_589, %swap3A_590], %gather3A_527 {strides = array<i32>} : memref<32x128xf32, #tpu.memory_space<vmem>>, vector<16xf32>,
      }
      %scan3A_159 = arith.constant 8 : i32
      %add3A_160 = arith.addi %mul3A_4, %add3A_146 : i32
      %jit3A_161 = arith.constant 160 : i32
      %div3A_162 = arith.divsi %add3A_160, %jit3A_161 : i32
      %sign3A_163 = arith.constant 0 : i32
      %sign3A_164 = arith.cmpi sgt, %add3A_160, %sign3A_163 : i32
      %sign3A_165 = arith.extui %sign3A_164 : i1 to i32
      %sign3A_166 = arith.constant 0 : i32
      %sign3A_167 = arith.cmpi slt, %add3A_160, %sign3A_166 : i32
      %sign3A_168 = arith.extui %sign3A_167 : i1 to i32
      %sign3A_169 = arith.subi %sign3A_165, %sign3A_168 : i32
      %sign3A_170 = arith.constant 0 : i32
      %sign3A_171 = arith.cmpi sgt, %jit3A_161, %sign3A_170 : i32
      %sign3A_172 = arith.extui %sign3A_171 : i1 to i32
      %sign3A_173 = arith.constant 0 : i32
      %sign3A_174 = arith.cmpi slt, %jit3A_161, %sign3A_173 : i32
      %sign3A_175 = arith.extui %sign3A_174 : i1 to i32
      %sign3A_176 = arith.subi %sign3A_172, %sign3A_175 : i32
      %ne3A_177 = arith.cmpi ne, %sign3A_169, %sign3A_176 : i32
      %rem3A_178 = arith.remsi %add3A_160, %jit3A_161 : i32
      %ne3A_179 = arith.constant 0 : i32
      %ne3A_180 = arith.cmpi ne, %rem3A_178, %ne3A_179 : i32
      %and3A_181 = arith.andi %ne3A_177, %ne3A_180 : i1
      %sub3A_182 = arith.constant 1 : i32
      %sub3A_183 = arith.subi %div3A_162, %sub3A_182 : i32
      %select_n3A_184 = arith.select %and3A_181, %sub3A_183, %div3A_162 : i32
      %mul3A_185 = arith.constant 160 : i32
      %mul3A_186 = arith.muli %select_n3A_184, %mul3A_185 : i32
      %sub3A_187 = arith.subi %add3A_160, %mul3A_186 : i32
      %jit3A_188 = arith.constant 8 : i32
      %div3A_189 = arith.divsi %sub3A_187, %jit3A_188 : i32
      %sign3A_190 = arith.constant 0 : i32
      %sign3A_191 = arith.cmpi sgt, %sub3A_187, %sign3A_190 : i32
      %sign3A_192 = arith.extui %sign3A_191 : i1 to i32
      %sign3A_193 = arith.constant 0 : i32
      %sign3A_194 = arith.cmpi slt, %sub3A_187, %sign3A_193 : i32
      %sign3A_195 = arith.extui %sign3A_194 : i1 to i32
      %sign3A_196 = arith.subi %sign3A_192, %sign3A_195 : i32
      %sign3A_197 = arith.constant 0 : i32
      %sign3A_198 = arith.cmpi sgt, %jit3A_188, %sign3A_197 : i32
      %sign3A_199 = arith.extui %sign3A_198 : i1 to i32
      %sign3A_200 = arith.constant 0 : i32
      %sign3A_201 = arith.cmpi slt, %jit3A_188, %sign3A_200 : i32
      %sign3A_202 = arith.extui %sign3A_201 : i1 to i32
      %sign3A_203 = arith.subi %sign3A_199, %sign3A_202 : i32
      %ne3A_204 = arith.cmpi ne, %sign3A_196, %sign3A_203 : i32
      %rem3A_205 = arith.remsi %sub3A_187, %jit3A_188 : i32
      %ne3A_206 = arith.constant 0 : i32
      %ne3A_207 = arith.cmpi ne, %rem3A_205, %ne3A_206 : i32
      %and3A_208 = arith.andi %ne3A_204, %ne3A_207 : i1
      %sub3A_209 = arith.constant 1 : i32
      %sub3A_210 = arith.subi %div3A_189, %sub3A_209 : i32
      %select_n3A_211 = arith.select %and3A_208, %sub3A_210, %div3A_189 : i32
      %mul3A_212 = arith.constant 8 : i32
      %mul3A_213 = arith.muli %select_n3A_211, %mul3A_212 : i32
      %sub3A_214 = arith.subi %sub3A_187, %mul3A_213 : i32
      %mul3A_215 = arith.constant 32 : i32
      %mul3A_216 = arith.muli %select_n3A_184, %mul3A_215 : i32
      %mul3A_217 = arith.constant 128 : i32
      %mul3A_218 = arith.muli %sub3A_214, %mul3A_217 : i32
      %dma_start3A_219 = tpu.memref_slice %arg4[%select_n3A_211, %mul3A_216, %mul3A_218] : memref<20x832x1024xf32, #tpu.memory_space<hbm>> -> memref<1x32x128xf32, #tpu.memory_space<hbm>>
      %dma_start3A_220 = tpu.memref_squeeze %dma_start3A_219 : memref<1x32x128xf32, #tpu.memory_space<hbm>> -> memref<32x128xf32, #tpu.memory_space<hbm>>
      %dma_start3A_221 = tpu.memref_slice %arg4[%select_n3A_211, %mul3A_216, %mul3A_218] : memref<20x832x1024xf32, #tpu.memory_space<hbm>> -> memref<1x32x128xf32, #tpu.memory_space<hbm>>
      %dma_start3A_222 = tpu.memref_squeeze %dma_start3A_221 : memref<1x32x128xf32, #tpu.memory_space<hbm>> -> memref<32x128xf32, #tpu.memory_space<hbm>>
      tpu.enqueue_dma source(%arg9 : memref<32x128xf32, #tpu.memory_space<vmem>>) target(%dma_start3A_222 : memref<32x128xf32, #tpu.memory_space<hbm>>) target_semaphore(%arg13 : memref<!tpu.dma_semaphore, #tpu.memory_space<semaphore_mem>>)
      %add3A_223 = arith.constant 2 : i32
      %add3A_224 = arith.addi %add3A_146, %add3A_223 : i32
      %lt3A = arith.constant 130 : i32
      %lt3A_225 = arith.cmpi slt, %add3A_224, %lt3A : i32
      %convert_element_type3A_226 = arith.extui %lt3A_225 : i1 to i32
      %cond3A_227 = arith.constant 0 : i32
      %cond3A_228 = arith.cmpi ne, %convert_element_type3A_226, %cond3A_227 : i32
      scf.if %cond3A_228 {
        %add3A_321 = arith.constant 2 : i32
        %add3A_322 = arith.addi %add3A_146, %add3A_321 : i32
        %mul3A_323 = arith.constant 128 : i32
        %mul3A_324 = arith.muli %add3A_322, %mul3A_323 : i32
        %dma_start3A_325 = tpu.memref_slice %arg6[%mul3A_324] : memref<16640xi32, #tpu.memory_space<vmem>> -> memref<128xi32, #tpu.memory_space<vmem>>
        %dma_start3A_326 = arith.constant 0 : i32
        %dma_start3A_327 = arith.constant 0 : i32
        %dma_start3A_328 = tpu.memref_slice %arg2[%dma_start3A_326, %dma_start3A_327] : memref<250000x128xf32, #tpu.memory_space<hbm>> -> memref<250000x128xf32, #tpu.memory_space<hbm>>
        tpu.enqueue_indirect_dma source(%dma_start3A_328 : memref<250000x128xf32, #tpu.memory_space<hbm>>) target(%arg7 : memref<128x128xf32, #tpu.memory_space<vmem>>) offsets(%dma_start3A_325 : memref<128xi32, #tpu.memory_space<vmem>>) semaphore(%arg11 : memref<!tpu.dma_semaphore, #tpu.memory_space<semaphore_mem>>)
      } else {
      }
      %add3A_229 = arith.constant 1 : i32
      %add3A_230 = arith.addi %add3A_146, %add3A_229 : i32
      %mul3A_231 = arith.constant 128 : i32
      %mul3A_232 = arith.muli %add3A_230, %mul3A_231 : i32
      %dma_wait3A_233 = tpu.memref_slice %arg6[%mul3A_232] : memref<16640xi32, #tpu.memory_space<vmem>> -> memref<128xi32, #tpu.memory_space<vmem>>
      %dma_wait3A_234 = arith.constant 0 : i32
      %dma_wait3A_235 = arith.constant 0 : i32
      %dma_wait3A_236 = tpu.memref_slice %arg2[%dma_wait3A_234, %dma_wait3A_235] : memref<250000x128xf32, #tpu.memory_space<hbm>> -> memref<250000x128xf32, #tpu.memory_space<hbm>>
      tpu.wait_indirect_dma semaphore(%arg12 : memref<!tpu.dma_semaphore, #tpu.memory_space<semaphore_mem>>) src(%dma_wait3A_236 : memref<250000x128xf32, #tpu.memory_space<hbm>>) dst(%arg8 : memref<128x128xf32, #tpu.memory_space<vmem>>)
      %gt3A_237 = arith.constant 0 : i32
      %gt3A_238 = arith.cmpi sgt, %add3A_146, %gt3A_237 : i32
      %convert_element_type3A_239 = arith.extui %gt3A_238 : i1 to i32
      %cond3A_240 = arith.constant 0 : i32
      %cond3A_241 = arith.cmpi ne, %convert_element_type3A_239, %cond3A_240 : i32
      scf.if %cond3A_241 {
        %sub3A_321 = arith.constant 1 : i32
        %sub3A_322 = arith.subi %add3A_146, %sub3A_321 : i32
        %add3A_323 = arith.addi %mul3A_4, %sub3A_322 : i32
        %jit3A_324 = arith.constant 160 : i32
        %div3A_325 = arith.divsi %add3A_323, %jit3A_324 : i32
        %sign3A_326 = arith.constant 0 : i32
        %sign3A_327 = arith.cmpi sgt, %add3A_323, %sign3A_326 : i32
        %sign3A_328 = arith.extui %sign3A_327 : i1 to i32
        %sign3A_329 = arith.constant 0 : i32
        %sign3A_330 = arith.cmpi slt, %add3A_323, %sign3A_329 : i32
        %sign3A_331 = arith.extui %sign3A_330 : i1 to i32
        %sign3A_332 = arith.subi %sign3A_328, %sign3A_331 : i32
        %sign3A_333 = arith.constant 0 : i32
        %sign3A_334 = arith.cmpi sgt, %jit3A_324, %sign3A_333 : i32
        %sign3A_335 = arith.extui %sign3A_334 : i1 to i32
        %sign3A_336 = arith.constant 0 : i32
        %sign3A_337 = arith.cmpi slt, %jit3A_324, %sign3A_336 : i32
        %sign3A_338 = arith.extui %sign3A_337 : i1 to i32
        %sign3A_339 = arith.subi %sign3A_335, %sign3A_338 : i32
        %ne3A_340 = arith.cmpi ne, %sign3A_332, %sign3A_339 : i32
        %rem3A_341 = arith.remsi %add3A_323, %jit3A_324 : i32
        %ne3A_342 = arith.constant 0 : i32
        %ne3A_343 = arith.cmpi ne, %rem3A_341, %ne3A_342 : i32
        %and3A_344 = arith.andi %ne3A_340, %ne3A_343 : i1
        %sub3A_345 = arith.constant 1 : i32
        %sub3A_346 = arith.subi %div3A_325, %sub3A_345 : i32
        %select_n3A_347 = arith.select %and3A_344, %sub3A_346, %div3A_325 : i32
        %mul3A_348 = arith.constant 160 : i32
        %mul3A_349 = arith.muli %select_n3A_347, %mul3A_348 : i32
        %sub3A_350 = arith.subi %add3A_323, %mul3A_349 : i32
        %jit3A_351 = arith.constant 8 : i32
        %div3A_352 = arith.divsi %sub3A_350, %jit3A_351 : i32
        %sign3A_353 = arith.constant 0 : i32
        %sign3A_354 = arith.cmpi sgt, %sub3A_350, %sign3A_353 : i32
        %sign3A_355 = arith.extui %sign3A_354 : i1 to i32
        %sign3A_356 = arith.constant 0 : i32
        %sign3A_357 = arith.cmpi slt, %sub3A_350, %sign3A_356 : i32
        %sign3A_358 = arith.extui %sign3A_357 : i1 to i32
        %sign3A_359 = arith.subi %sign3A_355, %sign3A_358 : i32
        %sign3A_360 = arith.constant 0 : i32
        %sign3A_361 = arith.cmpi sgt, %jit3A_351, %sign3A_360 : i32
        %sign3A_362 = arith.extui %sign3A_361 : i1 to i32
        %sign3A_363 = arith.constant 0 : i32
        %sign3A_364 = arith.cmpi slt, %jit3A_351, %sign3A_363 : i32
        %sign3A_365 = arith.extui %sign3A_364 : i1 to i32
        %sign3A_366 = arith.subi %sign3A_362, %sign3A_365 : i32
        %ne3A_367 = arith.cmpi ne, %sign3A_359, %sign3A_366 : i32
        %rem3A_368 = arith.remsi %sub3A_350, %jit3A_351 : i32
        %ne3A_369 = arith.constant 0 : i32
        %ne3A_370 = arith.cmpi ne, %rem3A_368, %ne3A_369 : i32
        %and3A_371 = arith.andi %ne3A_367, %ne3A_370 : i1
        %sub3A_372 = arith.constant 1 : i32
        %sub3A_373 = arith.subi %div3A_352, %sub3A_372 : i32
        %select_n3A_374 = arith.select %and3A_371, %sub3A_373, %div3A_352 : i32
        %mul3A_375 = arith.constant 8 : i32
        %mul3A_376 = arith.muli %select_n3A_374, %mul3A_375 : i32
        %sub3A_377 = arith.subi %sub3A_350, %mul3A_376 : i32
        %mul3A_378 = arith.constant 32 : i32
        %mul3A_379 = arith.muli %select_n3A_347, %mul3A_378 : i32
        %mul3A_380 = arith.constant 128 : i32
        %mul3A_381 = arith.muli %sub3A_377, %mul3A_380 : i32
        %dma_wait3A_382 = tpu.memref_slice %arg4[%select_n3A_374, %mul3A_379, %mul3A_381] : memref<20x832x1024xf32, #tpu.memory_space<hbm>> -> memref<1x32x128xf32, #tpu.memory_space<hbm>>
        %dma_wait3A_383 = tpu.memref_squeeze %dma_wait3A_382 : memref<1x32x128xf32, #tpu.memory_space<hbm>> -> memref<32x128xf32, #tpu.memory_space<hbm>>
        %dma_wait3A_384 = tpu.memref_slice %arg4[%select_n3A_374, %mul3A_379, %mul3A_381] : memref<20x832x1024xf32, #tpu.memory_space<hbm>> -> memref<1x32x128xf32, #tpu.memory_space<hbm>>
        %dma_wait3A_385 = tpu.memref_squeeze %dma_wait3A_384 : memref<1x32x128xf32, #tpu.memory_space<hbm>> -> memref<32x128xf32, #tpu.memory_space<hbm>>
        tpu.wait_dma2 semaphore(%arg14 : memref<!tpu.dma_semaphore, #tpu.memory_space<semaphore_mem>>) src(%arg10 : memref<32x128xf32, #tpu.memory_space<vmem>>) dst(%dma_wait3A_385 : memref<32x128xf32, #tpu.memory_space<hbm>>)
      } else {
      }
      %add3A_242 = arith.constant 1 : i32
      %add3A_243 = arith.addi %add3A_146, %add3A_242 : i32
      %scan3A_244 = arith.constant 0 : i32
      %scan3A_245 = arith.constant 8 : i32
      %scan3A_246 = arith.addi %scan3A_244, %scan3A_245 : i32
      %scan3A_247 = arith.constant 1 : i32
      scf.for %scan3A_321 = %scan3A_244 to %scan3A_246 step %scan3A_247  : i32 {
        %mul3A_322 = arith.constant 16 : i32
        %mul3A_323 = arith.muli %scan3A_321, %mul3A_322 : i32
        %add3A_324 = arith.constant 0 : i32
        %add3A_325 = arith.addi %add3A_324, %mul3A_323 : i32
        %mul3A_326 = arith.constant 128 : i32
        %mul3A_327 = arith.muli %add3A_243, %mul3A_326 : i32
        %add3A_328 = arith.addi %mul3A_327, %add3A_325 : i32
        %get3A = arith.index_cast %add3A_328 : i32 to index
        %get3A_329 = tpu.vector_load %arg5[%get3A] {strides = array<i32>} : memref<16640xi32, #tpu.memory_space<vmem>>, vector<16xi32>,
        %and3A_330 = arith.constant 3 : i32
        %and3A_331 = vector.broadcast %and3A_330 : i32 to vector<16xi32>
        %and3A_332 = arith.andi %get3A_329, %and3A_331 : vector<16xi32>
        %mul3A_333 = arith.constant 32 : i32
        %mul3A_334 = vector.broadcast %mul3A_333 : i32 to vector<16xi32>
        %mul3A_335 = arith.muli %and3A_332, %mul3A_334 : vector<16xi32>
        %add3A_336 = vector.broadcast %add3A_325 : i32 to vector<16xi32>
        %add3A_337 = arith.addi %iota3A, %add3A_336 : vector<16xi32>
        %add3A_338 = arith.constant 0 : i32
        %add3A_339 = vector.broadcast %add3A_338 : i32 to vector<16xi32>
        %add3A_340 = arith.addi %mul3A_335, %add3A_339 : vector<16xi32>
        %gather3A = tpu.vector_load_idx %arg8[%add3A_337, %add3A_340] : memref<128x128xf32, #tpu.memory_space<vmem>>[vector<16xi32>, vector<16xi32>], vector<16xf32>,
        %add3A_341 = arith.constant 1 : i32
        %add3A_342 = vector.broadcast %add3A_341 : i32 to vector<16xi32>
        %add3A_343 = arith.addi %mul3A_335, %add3A_342 : vector<16xi32>
        %gather3A_344 = tpu.vector_load_idx %arg8[%add3A_337, %add3A_343] : memref<128x128xf32, #tpu.memory_space<vmem>>[vector<16xi32>, vector<16xi32>], vector<16xf32>,
        %add3A_345 = arith.constant 2 : i32
        %add3A_346 = vector.broadcast %add3A_345 : i32 to vector<16xi32>
        %add3A_347 = arith.addi %mul3A_335, %add3A_346 : vector<16xi32>
        %gather3A_348 = tpu.vector_load_idx %arg8[%add3A_337, %add3A_347] : memref<128x128xf32, #tpu.memory_space<vmem>>[vector<16xi32>, vector<16xi32>], vector<16xf32>,
        %add3A_349 = arith.constant 3 : i32
        %add3A_350 = vector.broadcast %add3A_349 : i32 to vector<16xi32>
        %add3A_351 = arith.addi %mul3A_335, %add3A_350 : vector<16xi32>
        %gather3A_352 = tpu.vector_load_idx %arg8[%add3A_337, %add3A_351] : memref<128x128xf32, #tpu.memory_space<vmem>>[vector<16xi32>, vector<16xi32>], vector<16xf32>,
        %add3A_353 = arith.constant 4 : i32
        %add3A_354 = vector.broadcast %add3A_353 : i32 to vector<16xi32>
        %add3A_355 = arith.addi %mul3A_335, %add3A_354 : vector<16xi32>
        %gather3A_356 = tpu.vector_load_idx %arg8[%add3A_337, %add3A_355] : memref<128x128xf32, #tpu.memory_space<vmem>>[vector<16xi32>, vector<16xi32>], vector<16xf32>,
        %add3A_357 = arith.constant 5 : i32
        %add3A_358 = vector.broadcast %add3A_357 : i32 to vector<16xi32>
        %add3A_359 = arith.addi %mul3A_335, %add3A_358 : vector<16xi32>
        %gather3A_360 = tpu.vector_load_idx %arg8[%add3A_337, %add3A_359] : memref<128x128xf32, #tpu.memory_space<vmem>>[vector<16xi32>, vector<16xi32>], vector<16xf32>,
        %add3A_361 = arith.constant 6 : i32
        %add3A_362 = vector.broadcast %add3A_361 : i32 to vector<16xi32>
        %add3A_363 = arith.addi %mul3A_335, %add3A_362 : vector<16xi32>
        %gather3A_364 = tpu.vector_load_idx %arg8[%add3A_337, %add3A_363] : memref<128x128xf32, #tpu.memory_space<vmem>>[vector<16xi32>, vector<16xi32>], vector<16xf32>,
        %add3A_365 = arith.constant 7 : i32
        %add3A_366 = vector.broadcast %add3A_365 : i32 to vector<16xi32>
        %add3A_367 = arith.addi %mul3A_335, %add3A_366 : vector<16xi32>
        %gather3A_368 = tpu.vector_load_idx %arg8[%add3A_337, %add3A_367] : memref<128x128xf32, #tpu.memory_space<vmem>>[vector<16xi32>, vector<16xi32>], vector<16xf32>,
        %add3A_369 = arith.constant 8 : i32
        %add3A_370 = vector.broadcast %add3A_369 : i32 to vector<16xi32>
        %add3A_371 = arith.addi %mul3A_335, %add3A_370 : vector<16xi32>
        %gather3A_372 = tpu.vector_load_idx %arg8[%add3A_337, %add3A_371] : memref<128x128xf32, #tpu.memory_space<vmem>>[vector<16xi32>, vector<16xi32>], vector<16xf32>,
        %add3A_373 = arith.constant 9 : i32
        %add3A_374 = vector.broadcast %add3A_373 : i32 to vector<16xi32>
        %add3A_375 = arith.addi %mul3A_335, %add3A_374 : vector<16xi32>
        %gather3A_376 = tpu.vector_load_idx %arg8[%add3A_337, %add3A_375] : memref<128x128xf32, #tpu.memory_space<vmem>>[vector<16xi32>, vector<16xi32>], vector<16xf32>,
        %add3A_377 = arith.constant 10 : i32
        %add3A_378 = vector.broadcast %add3A_377 : i32 to vector<16xi32>
        %add3A_379 = arith.addi %mul3A_335, %add3A_378 : vector<16xi32>
        %gather3A_380 = tpu.vector_load_idx %arg8[%add3A_337, %add3A_379] : memref<128x128xf32, #tpu.memory_space<vmem>>[vector<16xi32>, vector<16xi32>], vector<16xf32>,
        %add3A_381 = arith.constant 11 : i32
        %add3A_382 = vector.broadcast %add3A_381 : i32 to vector<16xi32>
        %add3A_383 = arith.addi %mul3A_335, %add3A_382 : vector<16xi32>
        %gather3A_384 = tpu.vector_load_idx %arg8[%add3A_337, %add3A_383] : memref<128x128xf32, #tpu.memory_space<vmem>>[vector<16xi32>, vector<16xi32>], vector<16xf32>,
        %add3A_385 = arith.constant 12 : i32
        %add3A_386 = vector.broadcast %add3A_385 : i32 to vector<16xi32>
        %add3A_387 = arith.addi %mul3A_335, %add3A_386 : vector<16xi32>
        %gather3A_388 = tpu.vector_load_idx %arg8[%add3A_337, %add3A_387] : memref<128x128xf32, #tpu.memory_space<vmem>>[vector<16xi32>, vector<16xi32>], vector<16xf32>,
        %add3A_389 = arith.constant 13 : i32
        %add3A_390 = vector.broadcast %add3A_389 : i32 to vector<16xi32>
        %add3A_391 = arith.addi %mul3A_335, %add3A_390 : vector<16xi32>
        %gather3A_392 = tpu.vector_load_idx %arg8[%add3A_337, %add3A_391] : memref<128x128xf32, #tpu.memory_space<vmem>>[vector<16xi32>, vector<16xi32>], vector<16xf32>,
        %add3A_393 = arith.constant 14 : i32
        %add3A_394 = vector.broadcast %add3A_393 : i32 to vector<16xi32>
        %add3A_395 = arith.addi %mul3A_335, %add3A_394 : vector<16xi32>
        %gather3A_396 = tpu.vector_load_idx %arg8[%add3A_337, %add3A_395] : memref<128x128xf32, #tpu.memory_space<vmem>>[vector<16xi32>, vector<16xi32>], vector<16xf32>,
        %add3A_397 = arith.constant 15 : i32
        %add3A_398 = vector.broadcast %add3A_397 : i32 to vector<16xi32>
        %add3A_399 = arith.addi %mul3A_335, %add3A_398 : vector<16xi32>
        %gather3A_400 = tpu.vector_load_idx %arg8[%add3A_337, %add3A_399] : memref<128x128xf32, #tpu.memory_space<vmem>>[vector<16xi32>, vector<16xi32>], vector<16xf32>,
        %swap3A = arith.constant 0 : i32
        %swap3A_401 = arith.index_cast %swap3A : i32 to index
        %swap3A_402 = arith.index_cast %add3A_325 : i32 to index
        %swap3A_403 = tpu.vector_load %arg10[%swap3A_401, %swap3A_402] {strides = array<i32>} : memref<32x128xf32, #tpu.memory_space<vmem>>, vector<16xf32>,
        tpu.vector_store %arg10[%swap3A_401, %swap3A_402], %gather3A {strides = array<i32>} : memref<32x128xf32, #tpu.memory_space<vmem>>, vector<16xf32>,
        %swap3A_404 = arith.constant 1 : i32
        %swap3A_405 = arith.index_cast %swap3A_404 : i32 to index
        %swap3A_406 = arith.index_cast %add3A_325 : i32 to index
        %swap3A_407 = tpu.vector_load %arg10[%swap3A_405, %swap3A_406] {strides = array<i32>} : memref<32x128xf32, #tpu.memory_space<vmem>>, vector<16xf32>,
        tpu.vector_store %arg10[%swap3A_405, %swap3A_406], %gather3A_344 {strides = array<i32>} : memref<32x128xf32, #tpu.memory_space<vmem>>, vector<16xf32>,
        %swap3A_408 = arith.constant 2 : i32
        %swap3A_409 = arith.index_cast %swap3A_408 : i32 to index
        %swap3A_410 = arith.index_cast %add3A_325 : i32 to index
        %swap3A_411 = tpu.vector_load %arg10[%swap3A_409, %swap3A_410] {strides = array<i32>} : memref<32x128xf32, #tpu.memory_space<vmem>>, vector<16xf32>,
        tpu.vector_store %arg10[%swap3A_409, %swap3A_410], %gather3A_348 {strides = array<i32>} : memref<32x128xf32, #tpu.memory_space<vmem>>, vector<16xf32>,
        %swap3A_412 = arith.constant 3 : i32
        %swap3A_413 = arith.index_cast %swap3A_412 : i32 to index
        %swap3A_414 = arith.index_cast %add3A_325 : i32 to index
        %swap3A_415 = tpu.vector_load %arg10[%swap3A_413, %swap3A_414] {strides = array<i32>} : memref<32x128xf32, #tpu.memory_space<vmem>>, vector<16xf32>,
        tpu.vector_store %arg10[%swap3A_413, %swap3A_414], %gather3A_352 {strides = array<i32>} : memref<32x128xf32, #tpu.memory_space<vmem>>, vector<16xf32>,
        %swap3A_416 = arith.constant 4 : i32
        %swap3A_417 = arith.index_cast %swap3A_416 : i32 to index
        %swap3A_418 = arith.index_cast %add3A_325 : i32 to index
        %swap3A_419 = tpu.vector_load %arg10[%swap3A_417, %swap3A_418] {strides = array<i32>} : memref<32x128xf32, #tpu.memory_space<vmem>>, vector<16xf32>,
        tpu.vector_store %arg10[%swap3A_417, %swap3A_418], %gather3A_356 {strides = array<i32>} : memref<32x128xf32, #tpu.memory_space<vmem>>, vector<16xf32>,
        %swap3A_420 = arith.constant 5 : i32
        %swap3A_421 = arith.index_cast %swap3A_420 : i32 to index
        %swap3A_422 = arith.index_cast %add3A_325 : i32 to index
        %swap3A_423 = tpu.vector_load %arg10[%swap3A_421, %swap3A_422] {strides = array<i32>} : memref<32x128xf32, #tpu.memory_space<vmem>>, vector<16xf32>,
        tpu.vector_store %arg10[%swap3A_421, %swap3A_422], %gather3A_360 {strides = array<i32>} : memref<32x128xf32, #tpu.memory_space<vmem>>, vector<16xf32>,
        %swap3A_424 = arith.constant 6 : i32
        %swap3A_425 = arith.index_cast %swap3A_424 : i32 to index
        %swap3A_426 = arith.index_cast %add3A_325 : i32 to index
        %swap3A_427 = tpu.vector_load %arg10[%swap3A_425, %swap3A_426] {strides = array<i32>} : memref<32x128xf32, #tpu.memory_space<vmem>>, vector<16xf32>,
        tpu.vector_store %arg10[%swap3A_425, %swap3A_426], %gather3A_364 {strides = array<i32>} : memref<32x128xf32, #tpu.memory_space<vmem>>, vector<16xf32>,
        %swap3A_428 = arith.constant 7 : i32
        %swap3A_429 = arith.index_cast %swap3A_428 : i32 to index
        %swap3A_430 = arith.index_cast %add3A_325 : i32 to index
        %swap3A_431 = tpu.vector_load %arg10[%swap3A_429, %swap3A_430] {strides = array<i32>} : memref<32x128xf32, #tpu.memory_space<vmem>>, vector<16xf32>,
        tpu.vector_store %arg10[%swap3A_429, %swap3A_430], %gather3A_368 {strides = array<i32>} : memref<32x128xf32, #tpu.memory_space<vmem>>, vector<16xf32>,
        %swap3A_432 = arith.constant 8 : i32
        %swap3A_433 = arith.index_cast %swap3A_432 : i32 to index
        %swap3A_434 = arith.index_cast %add3A_325 : i32 to index
        %swap3A_435 = tpu.vector_load %arg10[%swap3A_433, %swap3A_434] {strides = array<i32>} : memref<32x128xf32, #tpu.memory_space<vmem>>, vector<16xf32>,
        tpu.vector_store %arg10[%swap3A_433, %swap3A_434], %gather3A_372 {strides = array<i32>} : memref<32x128xf32, #tpu.memory_space<vmem>>, vector<16xf32>,
        %swap3A_436 = arith.constant 9 : i32
        %swap3A_437 = arith.index_cast %swap3A_436 : i32 to index
        %swap3A_438 = arith.index_cast %add3A_325 : i32 to index
        %swap3A_439 = tpu.vector_load %arg10[%swap3A_437, %swap3A_438] {strides = array<i32>} : memref<32x128xf32, #tpu.memory_space<vmem>>, vector<16xf32>,
        tpu.vector_store %arg10[%swap3A_437, %swap3A_438], %gather3A_376 {strides = array<i32>} : memref<32x128xf32, #tpu.memory_space<vmem>>, vector<16xf32>,
        %swap3A_440 = arith.constant 10 : i32
        %swap3A_441 = arith.index_cast %swap3A_440 : i32 to index
        %swap3A_442 = arith.index_cast %add3A_325 : i32 to index
        %swap3A_443 = tpu.vector_load %arg10[%swap3A_441, %swap3A_442] {strides = array<i32>} : memref<32x128xf32, #tpu.memory_space<vmem>>, vector<16xf32>,
        tpu.vector_store %arg10[%swap3A_441, %swap3A_442], %gather3A_380 {strides = array<i32>} : memref<32x128xf32, #tpu.memory_space<vmem>>, vector<16xf32>,
        %swap3A_444 = arith.constant 11 : i32
        %swap3A_445 = arith.index_cast %swap3A_444 : i32 to index
        %swap3A_446 = arith.index_cast %add3A_325 : i32 to index
        %swap3A_447 = tpu.vector_load %arg10[%swap3A_445, %swap3A_446] {strides = array<i32>} : memref<32x128xf32, #tpu.memory_space<vmem>>, vector<16xf32>,
        tpu.vector_store %arg10[%swap3A_445, %swap3A_446], %gather3A_384 {strides = array<i32>} : memref<32x128xf32, #tpu.memory_space<vmem>>, vector<16xf32>,
        %swap3A_448 = arith.constant 12 : i32
        %swap3A_449 = arith.index_cast %swap3A_448 : i32 to index
        %swap3A_450 = arith.index_cast %add3A_325 : i32 to index
        %swap3A_451 = tpu.vector_load %arg10[%swap3A_449, %swap3A_450] {strides = array<i32>} : memref<32x128xf32, #tpu.memory_space<vmem>>, vector<16xf32>,
        tpu.vector_store %arg10[%swap3A_449, %swap3A_450], %gather3A_388 {strides = array<i32>} : memref<32x128xf32, #tpu.memory_space<vmem>>, vector<16xf32>,
        %swap3A_452 = arith.constant 13 : i32
        %swap3A_453 = arith.index_cast %swap3A_452 : i32 to index
        %swap3A_454 = arith.index_cast %add3A_325 : i32 to index
        %swap3A_455 = tpu.vector_load %arg10[%swap3A_453, %swap3A_454] {strides = array<i32>} : memref<32x128xf32, #tpu.memory_space<vmem>>, vector<16xf32>,
        tpu.vector_store %arg10[%swap3A_453, %swap3A_454], %gather3A_392 {strides = array<i32>} : memref<32x128xf32, #tpu.memory_space<vmem>>, vector<16xf32>,
        %swap3A_456 = arith.constant 14 : i32
        %swap3A_457 = arith.index_cast %swap3A_456 : i32 to index
        %swap3A_458 = arith.index_cast %add3A_325 : i32 to index
        %swap3A_459 = tpu.vector_load %arg10[%swap3A_457, %swap3A_458] {strides = array<i32>} : memref<32x128xf32, #tpu.memory_space<vmem>>, vector<16xf32>,
        tpu.vector_store %arg10[%swap3A_457, %swap3A_458], %gather3A_396 {strides = array<i32>} : memref<32x128xf32, #tpu.memory_space<vmem>>, vector<16xf32>,
        %swap3A_460 = arith.constant 15 : i32
        %swap3A_461 = arith.index_cast %swap3A_460 : i32 to index
        %swap3A_462 = arith.index_cast %add3A_325 : i32 to index
        %swap3A_463 = tpu.vector_load %arg10[%swap3A_461, %swap3A_462] {strides = array<i32>} : memref<32x128xf32, #tpu.memory_space<vmem>>, vector<16xf32>,
        tpu.vector_store %arg10[%swap3A_461, %swap3A_462], %gather3A_400 {strides = array<i32>} : memref<32x128xf32, #tpu.memory_space<vmem>>, vector<16xf32>,
        %add3A_464 = arith.constant 16 : i32
        %add3A_465 = vector.broadcast %add3A_464 : i32 to vector<16xi32>
        %add3A_466 = arith.addi %mul3A_335, %add3A_465 : vector<16xi32>
        %gather3A_467 = tpu.vector_load_idx %arg8[%add3A_337, %add3A_466] : memref<128x128xf32, #tpu.memory_space<vmem>>[vector<16xi32>, vector<16xi32>], vector<16xf32>,
        %add3A_468 = arith.constant 17 : i32
        %add3A_469 = vector.broadcast %add3A_468 : i32 to vector<16xi32>
        %add3A_470 = arith.addi %mul3A_335, %add3A_469 : vector<16xi32>
        %gather3A_471 = tpu.vector_load_idx %arg8[%add3A_337, %add3A_470] : memref<128x128xf32, #tpu.memory_space<vmem>>[vector<16xi32>, vector<16xi32>], vector<16xf32>,
        %add3A_472 = arith.constant 18 : i32
        %add3A_473 = vector.broadcast %add3A_472 : i32 to vector<16xi32>
        %add3A_474 = arith.addi %mul3A_335, %add3A_473 : vector<16xi32>
        %gather3A_475 = tpu.vector_load_idx %arg8[%add3A_337, %add3A_474] : memref<128x128xf32, #tpu.memory_space<vmem>>[vector<16xi32>, vector<16xi32>], vector<16xf32>,
        %add3A_476 = arith.constant 19 : i32
        %add3A_477 = vector.broadcast %add3A_476 : i32 to vector<16xi32>
        %add3A_478 = arith.addi %mul3A_335, %add3A_477 : vector<16xi32>
        %gather3A_479 = tpu.vector_load_idx %arg8[%add3A_337, %add3A_478] : memref<128x128xf32, #tpu.memory_space<vmem>>[vector<16xi32>, vector<16xi32>], vector<16xf32>,
        %add3A_480 = arith.constant 20 : i32
        %add3A_481 = vector.broadcast %add3A_480 : i32 to vector<16xi32>
        %add3A_482 = arith.addi %mul3A_335, %add3A_481 : vector<16xi32>
        %gather3A_483 = tpu.vector_load_idx %arg8[%add3A_337, %add3A_482] : memref<128x128xf32, #tpu.memory_space<vmem>>[vector<16xi32>, vector<16xi32>], vector<16xf32>,
        %add3A_484 = arith.constant 21 : i32
        %add3A_485 = vector.broadcast %add3A_484 : i32 to vector<16xi32>
        %add3A_486 = arith.addi %mul3A_335, %add3A_485 : vector<16xi32>
        %gather3A_487 = tpu.vector_load_idx %arg8[%add3A_337, %add3A_486] : memref<128x128xf32, #tpu.memory_space<vmem>>[vector<16xi32>, vector<16xi32>], vector<16xf32>,
        %add3A_488 = arith.constant 22 : i32
        %add3A_489 = vector.broadcast %add3A_488 : i32 to vector<16xi32>
        %add3A_490 = arith.addi %mul3A_335, %add3A_489 : vector<16xi32>
        %gather3A_491 = tpu.vector_load_idx %arg8[%add3A_337, %add3A_490] : memref<128x128xf32, #tpu.memory_space<vmem>>[vector<16xi32>, vector<16xi32>], vector<16xf32>,
        %add3A_492 = arith.constant 23 : i32
        %add3A_493 = vector.broadcast %add3A_492 : i32 to vector<16xi32>
        %add3A_494 = arith.addi %mul3A_335, %add3A_493 : vector<16xi32>
        %gather3A_495 = tpu.vector_load_idx %arg8[%add3A_337, %add3A_494] : memref<128x128xf32, #tpu.memory_space<vmem>>[vector<16xi32>, vector<16xi32>], vector<16xf32>,
        %add3A_496 = arith.constant 24 : i32
        %add3A_497 = vector.broadcast %add3A_496 : i32 to vector<16xi32>
        %add3A_498 = arith.addi %mul3A_335, %add3A_497 : vector<16xi32>
        %gather3A_499 = tpu.vector_load_idx %arg8[%add3A_337, %add3A_498] : memref<128x128xf32, #tpu.memory_space<vmem>>[vector<16xi32>, vector<16xi32>], vector<16xf32>,
        %add3A_500 = arith.constant 25 : i32
        %add3A_501 = vector.broadcast %add3A_500 : i32 to vector<16xi32>
        %add3A_502 = arith.addi %mul3A_335, %add3A_501 : vector<16xi32>
        %gather3A_503 = tpu.vector_load_idx %arg8[%add3A_337, %add3A_502] : memref<128x128xf32, #tpu.memory_space<vmem>>[vector<16xi32>, vector<16xi32>], vector<16xf32>,
        %add3A_504 = arith.constant 26 : i32
        %add3A_505 = vector.broadcast %add3A_504 : i32 to vector<16xi32>
        %add3A_506 = arith.addi %mul3A_335, %add3A_505 : vector<16xi32>
        %gather3A_507 = tpu.vector_load_idx %arg8[%add3A_337, %add3A_506] : memref<128x128xf32, #tpu.memory_space<vmem>>[vector<16xi32>, vector<16xi32>], vector<16xf32>,
        %add3A_508 = arith.constant 27 : i32
        %add3A_509 = vector.broadcast %add3A_508 : i32 to vector<16xi32>
        %add3A_510 = arith.addi %mul3A_335, %add3A_509 : vector<16xi32>
        %gather3A_511 = tpu.vector_load_idx %arg8[%add3A_337, %add3A_510] : memref<128x128xf32, #tpu.memory_space<vmem>>[vector<16xi32>, vector<16xi32>], vector<16xf32>,
        %add3A_512 = arith.constant 28 : i32
        %add3A_513 = vector.broadcast %add3A_512 : i32 to vector<16xi32>
        %add3A_514 = arith.addi %mul3A_335, %add3A_513 : vector<16xi32>
        %gather3A_515 = tpu.vector_load_idx %arg8[%add3A_337, %add3A_514] : memref<128x128xf32, #tpu.memory_space<vmem>>[vector<16xi32>, vector<16xi32>], vector<16xf32>,
        %add3A_516 = arith.constant 29 : i32
        %add3A_517 = vector.broadcast %add3A_516 : i32 to vector<16xi32>
        %add3A_518 = arith.addi %mul3A_335, %add3A_517 : vector<16xi32>
        %gather3A_519 = tpu.vector_load_idx %arg8[%add3A_337, %add3A_518] : memref<128x128xf32, #tpu.memory_space<vmem>>[vector<16xi32>, vector<16xi32>], vector<16xf32>,
        %add3A_520 = arith.constant 30 : i32
        %add3A_521 = vector.broadcast %add3A_520 : i32 to vector<16xi32>
        %add3A_522 = arith.addi %mul3A_335, %add3A_521 : vector<16xi32>
        %gather3A_523 = tpu.vector_load_idx %arg8[%add3A_337, %add3A_522] : memref<128x128xf32, #tpu.memory_space<vmem>>[vector<16xi32>, vector<16xi32>], vector<16xf32>,
        %add3A_524 = arith.constant 31 : i32
        %add3A_525 = vector.broadcast %add3A_524 : i32 to vector<16xi32>
        %add3A_526 = arith.addi %mul3A_335, %add3A_525 : vector<16xi32>
        %gather3A_527 = tpu.vector_load_idx %arg8[%add3A_337, %add3A_526] : memref<128x128xf32, #tpu.memory_space<vmem>>[vector<16xi32>, vector<16xi32>], vector<16xf32>,
        %swap3A_528 = arith.constant 16 : i32
        %swap3A_529 = arith.index_cast %swap3A_528 : i32 to index
        %swap3A_530 = arith.index_cast %add3A_325 : i32 to index
        %swap3A_531 = tpu.vector_load %arg10[%swap3A_529, %swap3A_530] {strides = array<i32>} : memref<32x128xf32, #tpu.memory_space<vmem>>, vector<16xf32>,
        tpu.vector_store %arg10[%swap3A_529, %swap3A_530], %gather3A_467 {strides = array<i32>} : memref<32x128xf32, #tpu.memory_space<vmem>>, vector<16xf32>,
        %swap3A_532 = arith.constant 17 : i32
        %swap3A_533 = arith.index_cast %swap3A_532 : i32 to index
        %swap3A_534 = arith.index_cast %add3A_325 : i32 to index
        %swap3A_535 = tpu.vector_load %arg10[%swap3A_533, %swap3A_534] {strides = array<i32>} : memref<32x128xf32, #tpu.memory_space<vmem>>, vector<16xf32>,
        tpu.vector_store %arg10[%swap3A_533, %swap3A_534], %gather3A_471 {strides = array<i32>} : memref<32x128xf32, #tpu.memory_space<vmem>>, vector<16xf32>,
        %swap3A_536 = arith.constant 18 : i32
        %swap3A_537 = arith.index_cast %swap3A_536 : i32 to index
        %swap3A_538 = arith.index_cast %add3A_325 : i32 to index
        %swap3A_539 = tpu.vector_load %arg10[%swap3A_537, %swap3A_538] {strides = array<i32>} : memref<32x128xf32, #tpu.memory_space<vmem>>, vector<16xf32>,
        tpu.vector_store %arg10[%swap3A_537, %swap3A_538], %gather3A_475 {strides = array<i32>} : memref<32x128xf32, #tpu.memory_space<vmem>>, vector<16xf32>,
        %swap3A_540 = arith.constant 19 : i32
        %swap3A_541 = arith.index_cast %swap3A_540 : i32 to index
        %swap3A_542 = arith.index_cast %add3A_325 : i32 to index
        %swap3A_543 = tpu.vector_load %arg10[%swap3A_541, %swap3A_542] {strides = array<i32>} : memref<32x128xf32, #tpu.memory_space<vmem>>, vector<16xf32>,
        tpu.vector_store %arg10[%swap3A_541, %swap3A_542], %gather3A_479 {strides = array<i32>} : memref<32x128xf32, #tpu.memory_space<vmem>>, vector<16xf32>,
        %swap3A_544 = arith.constant 20 : i32
        %swap3A_545 = arith.index_cast %swap3A_544 : i32 to index
        %swap3A_546 = arith.index_cast %add3A_325 : i32 to index
        %swap3A_547 = tpu.vector_load %arg10[%swap3A_545, %swap3A_546] {strides = array<i32>} : memref<32x128xf32, #tpu.memory_space<vmem>>, vector<16xf32>,
        tpu.vector_store %arg10[%swap3A_545, %swap3A_546], %gather3A_483 {strides = array<i32>} : memref<32x128xf32, #tpu.memory_space<vmem>>, vector<16xf32>,
        %swap3A_548 = arith.constant 21 : i32
        %swap3A_549 = arith.index_cast %swap3A_548 : i32 to index
        %swap3A_550 = arith.index_cast %add3A_325 : i32 to index
        %swap3A_551 = tpu.vector_load %arg10[%swap3A_549, %swap3A_550] {strides = array<i32>} : memref<32x128xf32, #tpu.memory_space<vmem>>, vector<16xf32>,
        tpu.vector_store %arg10[%swap3A_549, %swap3A_550], %gather3A_487 {strides = array<i32>} : memref<32x128xf32, #tpu.memory_space<vmem>>, vector<16xf32>,
        %swap3A_552 = arith.constant 22 : i32
        %swap3A_553 = arith.index_cast %swap3A_552 : i32 to index
        %swap3A_554 = arith.index_cast %add3A_325 : i32 to index
        %swap3A_555 = tpu.vector_load %arg10[%swap3A_553, %swap3A_554] {strides = array<i32>} : memref<32x128xf32, #tpu.memory_space<vmem>>, vector<16xf32>,
        tpu.vector_store %arg10[%swap3A_553, %swap3A_554], %gather3A_491 {strides = array<i32>} : memref<32x128xf32, #tpu.memory_space<vmem>>, vector<16xf32>,
        %swap3A_556 = arith.constant 23 : i32
        %swap3A_557 = arith.index_cast %swap3A_556 : i32 to index
        %swap3A_558 = arith.index_cast %add3A_325 : i32 to index
        %swap3A_559 = tpu.vector_load %arg10[%swap3A_557, %swap3A_558] {strides = array<i32>} : memref<32x128xf32, #tpu.memory_space<vmem>>, vector<16xf32>,
        tpu.vector_store %arg10[%swap3A_557, %swap3A_558], %gather3A_495 {strides = array<i32>} : memref<32x128xf32, #tpu.memory_space<vmem>>, vector<16xf32>,
        %swap3A_560 = arith.constant 24 : i32
        %swap3A_561 = arith.index_cast %swap3A_560 : i32 to index
        %swap3A_562 = arith.index_cast %add3A_325 : i32 to index
        %swap3A_563 = tpu.vector_load %arg10[%swap3A_561, %swap3A_562] {strides = array<i32>} : memref<32x128xf32, #tpu.memory_space<vmem>>, vector<16xf32>,
        tpu.vector_store %arg10[%swap3A_561, %swap3A_562], %gather3A_499 {strides = array<i32>} : memref<32x128xf32, #tpu.memory_space<vmem>>, vector<16xf32>,
        %swap3A_564 = arith.constant 25 : i32
        %swap3A_565 = arith.index_cast %swap3A_564 : i32 to index
        %swap3A_566 = arith.index_cast %add3A_325 : i32 to index
        %swap3A_567 = tpu.vector_load %arg10[%swap3A_565, %swap3A_566] {strides = array<i32>} : memref<32x128xf32, #tpu.memory_space<vmem>>, vector<16xf32>,
        tpu.vector_store %arg10[%swap3A_565, %swap3A_566], %gather3A_503 {strides = array<i32>} : memref<32x128xf32, #tpu.memory_space<vmem>>, vector<16xf32>,
        %swap3A_568 = arith.constant 26 : i32
        %swap3A_569 = arith.index_cast %swap3A_568 : i32 to index
        %swap3A_570 = arith.index_cast %add3A_325 : i32 to index
        %swap3A_571 = tpu.vector_load %arg10[%swap3A_569, %swap3A_570] {strides = array<i32>} : memref<32x128xf32, #tpu.memory_space<vmem>>, vector<16xf32>,
        tpu.vector_store %arg10[%swap3A_569, %swap3A_570], %gather3A_507 {strides = array<i32>} : memref<32x128xf32, #tpu.memory_space<vmem>>, vector<16xf32>,
        %swap3A_572 = arith.constant 27 : i32
        %swap3A_573 = arith.index_cast %swap3A_572 : i32 to index
        %swap3A_574 = arith.index_cast %add3A_325 : i32 to index
        %swap3A_575 = tpu.vector_load %arg10[%swap3A_573, %swap3A_574] {strides = array<i32>} : memref<32x128xf32, #tpu.memory_space<vmem>>, vector<16xf32>,
        tpu.vector_store %arg10[%swap3A_573, %swap3A_574], %gather3A_511 {strides = array<i32>} : memref<32x128xf32, #tpu.memory_space<vmem>>, vector<16xf32>,
        %swap3A_576 = arith.constant 28 : i32
        %swap3A_577 = arith.index_cast %swap3A_576 : i32 to index
        %swap3A_578 = arith.index_cast %add3A_325 : i32 to index
        %swap3A_579 = tpu.vector_load %arg10[%swap3A_577, %swap3A_578] {strides = array<i32>} : memref<32x128xf32, #tpu.memory_space<vmem>>, vector<16xf32>,
        tpu.vector_store %arg10[%swap3A_577, %swap3A_578], %gather3A_515 {strides = array<i32>} : memref<32x128xf32, #tpu.memory_space<vmem>>, vector<16xf32>,
        %swap3A_580 = arith.constant 29 : i32
        %swap3A_581 = arith.index_cast %swap3A_580 : i32 to index
        %swap3A_582 = arith.index_cast %add3A_325 : i32 to index
        %swap3A_583 = tpu.vector_load %arg10[%swap3A_581, %swap3A_582] {strides = array<i32>} : memref<32x128xf32, #tpu.memory_space<vmem>>, vector<16xf32>,
        tpu.vector_store %arg10[%swap3A_581, %swap3A_582], %gather3A_519 {strides = array<i32>} : memref<32x128xf32, #tpu.memory_space<vmem>>, vector<16xf32>,
        %swap3A_584 = arith.constant 30 : i32
        %swap3A_585 = arith.index_cast %swap3A_584 : i32 to index
        %swap3A_586 = arith.index_cast %add3A_325 : i32 to index
        %swap3A_587 = tpu.vector_load %arg10[%swap3A_585, %swap3A_586] {strides = array<i32>} : memref<32x128xf32, #tpu.memory_space<vmem>>, vector<16xf32>,
        tpu.vector_store %arg10[%swap3A_585, %swap3A_586], %gather3A_523 {strides = array<i32>} : memref<32x128xf32, #tpu.memory_space<vmem>>, vector<16xf32>,
        %swap3A_588 = arith.constant 31 : i32
        %swap3A_589 = arith.index_cast %swap3A_588 : i32 to index
        %swap3A_590 = arith.index_cast %add3A_325 : i32 to index
        %swap3A_591 = tpu.vector_load %arg10[%swap3A_589, %swap3A_590] {strides = array<i32>} : memref<32x128xf32, #tpu.memory_space<vmem>>, vector<16xf32>,
        tpu.vector_store %arg10[%swap3A_589, %swap3A_590], %gather3A_527 {strides = array<i32>} : memref<32x128xf32, #tpu.memory_space<vmem>>, vector<16xf32>,
      }
      %scan3A_248 = arith.constant 8 : i32
      %add3A_249 = arith.constant 1 : i32
      %add3A_250 = arith.addi %add3A_146, %add3A_249 : i32
      %add3A_251 = arith.addi %mul3A_4, %add3A_250 : i32
      %jit3A_252 = arith.constant 160 : i32
      %div3A_253 = arith.divsi %add3A_251, %jit3A_252 : i32
      %sign3A_254 = arith.constant 0 : i32
      %sign3A_255 = arith.cmpi sgt, %add3A_251, %sign3A_254 : i32
      %sign3A_256 = arith.extui %sign3A_255 : i1 to i32
      %sign3A_257 = arith.constant 0 : i32
      %sign3A_258 = arith.cmpi slt, %add3A_251, %sign3A_257 : i32
      %sign3A_259 = arith.extui %sign3A_258 : i1 to i32
      %sign3A_260 = arith.subi %sign3A_256, %sign3A_259 : i32
      %sign3A_261 = arith.constant 0 : i32
      %sign3A_262 = arith.cmpi sgt, %jit3A_252, %sign3A_261 : i32
      %sign3A_263 = arith.extui %sign3A_262 : i1 to i32
      %sign3A_264 = arith.constant 0 : i32
      %sign3A_265 = arith.cmpi slt, %jit3A_252, %sign3A_264 : i32
      %sign3A_266 = arith.extui %sign3A_265 : i1 to i32
      %sign3A_267 = arith.subi %sign3A_263, %sign3A_266 : i32
      %ne3A_268 = arith.cmpi ne, %sign3A_260, %sign3A_267 : i32
      %rem3A_269 = arith.remsi %add3A_251, %jit3A_252 : i32
      %ne3A_270 = arith.constant 0 : i32
      %ne3A_271 = arith.cmpi ne, %rem3A_269, %ne3A_270 : i32
      %and3A_272 = arith.andi %ne3A_268, %ne3A_271 : i1
      %sub3A_273 = arith.constant 1 : i32
      %sub3A_274 = arith.subi %div3A_253, %sub3A_273 : i32
      %select_n3A_275 = arith.select %and3A_272, %sub3A_274, %div3A_253 : i32
      %mul3A_276 = arith.constant 160 : i32
      %mul3A_277 = arith.muli %select_n3A_275, %mul3A_276 : i32
      %sub3A_278 = arith.subi %add3A_251, %mul3A_277 : i32
      %jit3A_279 = arith.constant 8 : i32
      %div3A_280 = arith.divsi %sub3A_278, %jit3A_279 : i32
      %sign3A_281 = arith.constant 0 : i32
      %sign3A_282 = arith.cmpi sgt, %sub3A_278, %sign3A_281 : i32
      %sign3A_283 = arith.extui %sign3A_282 : i1 to i32
      %sign3A_284 = arith.constant 0 : i32
      %sign3A_285 = arith.cmpi slt, %sub3A_278, %sign3A_284 : i32
      %sign3A_286 = arith.extui %sign3A_285 : i1 to i32
      %sign3A_287 = arith.subi %sign3A_283, %sign3A_286 : i32
      %sign3A_288 = arith.constant 0 : i32
      %sign3A_289 = arith.cmpi sgt, %jit3A_279, %sign3A_288 : i32
      %sign3A_290 = arith.extui %sign3A_289 : i1 to i32
      %sign3A_291 = arith.constant 0 : i32
      %sign3A_292 = arith.cmpi slt, %jit3A_279, %sign3A_291 : i32
      %sign3A_293 = arith.extui %sign3A_292 : i1 to i32
      %sign3A_294 = arith.subi %sign3A_290, %sign3A_293 : i32
      %ne3A_295 = arith.cmpi ne, %sign3A_287, %sign3A_294 : i32
      %rem3A_296 = arith.remsi %sub3A_278, %jit3A_279 : i32
      %ne3A_297 = arith.constant 0 : i32
      %ne3A_298 = arith.cmpi ne, %rem3A_296, %ne3A_297 : i32
      %and3A_299 = arith.andi %ne3A_295, %ne3A_298 : i1
      %sub3A_300 = arith.constant 1 : i32
      %sub3A_301 = arith.subi %div3A_280, %sub3A_300 : i32
      %select_n3A_302 = arith.select %and3A_299, %sub3A_301, %div3A_280 : i32
      %mul3A_303 = arith.constant 8 : i32
      %mul3A_304 = arith.muli %select_n3A_302, %mul3A_303 : i32
      %sub3A_305 = arith.subi %sub3A_278, %mul3A_304 : i32
      %mul3A_306 = arith.constant 32 : i32
      %mul3A_307 = arith.muli %select_n3A_275, %mul3A_306 : i32
      %mul3A_308 = arith.constant 128 : i32
      %mul3A_309 = arith.muli %sub3A_305, %mul3A_308 : i32
      %dma_start3A_310 = tpu.memref_slice %arg4[%select_n3A_302, %mul3A_307, %mul3A_309] : memref<20x832x1024xf32, #tpu.memory_space<hbm>> -> memref<1x32x128xf32, #tpu.memory_space<hbm>>
      %dma_start3A_311 = tpu.memref_squeeze %dma_start3A_310 : memref<1x32x128xf32, #tpu.memory_space<hbm>> -> memref<32x128xf32, #tpu.memory_space<hbm>>
      %dma_start3A_312 = tpu.memref_slice %arg4[%select_n3A_302, %mul3A_307, %mul3A_309] : memref<20x832x1024xf32, #tpu.memory_space<hbm>> -> memref<1x32x128xf32, #tpu.memory_space<hbm>>
      %dma_start3A_313 = tpu.memref_squeeze %dma_start3A_312 : memref<1x32x128xf32, #tpu.memory_space<hbm>> -> memref<32x128xf32, #tpu.memory_space<hbm>>
      tpu.enqueue_dma source(%arg10 : memref<32x128xf32, #tpu.memory_space<vmem>>) target(%dma_start3A_313 : memref<32x128xf32, #tpu.memory_space<hbm>>) target_semaphore(%arg14 : memref<!tpu.dma_semaphore, #tpu.memory_space<semaphore_mem>>)
      %add3A_314 = arith.constant 3 : i32
      %add3A_315 = arith.addi %add3A_146, %add3A_314 : i32
      %lt3A_316 = arith.constant 130 : i32
      %lt3A_317 = arith.cmpi slt, %add3A_315, %lt3A_316 : i32
      %convert_element_type3A_318 = arith.extui %lt3A_317 : i1 to i32
      %cond3A_319 = arith.constant 0 : i32
      %cond3A_320 = arith.cmpi ne, %convert_element_type3A_318, %cond3A_319 : i32
      scf.if %cond3A_320 {
        %add3A_321 = arith.constant 3 : i32
        %add3A_322 = arith.addi %add3A_146, %add3A_321 : i32
        %mul3A_323 = arith.constant 128 : i32
        %mul3A_324 = arith.muli %add3A_322, %mul3A_323 : i32
        %dma_start3A_325 = tpu.memref_slice %arg6[%mul3A_324] : memref<16640xi32, #tpu.memory_space<vmem>> -> memref<128xi32, #tpu.memory_space<vmem>>
        %dma_start3A_326 = arith.constant 0 : i32
        %dma_start3A_327 = arith.constant 0 : i32
        %dma_start3A_328 = tpu.memref_slice %arg2[%dma_start3A_326, %dma_start3A_327] : memref<250000x128xf32, #tpu.memory_space<hbm>> -> memref<250000x128xf32, #tpu.memory_space<hbm>>
        tpu.enqueue_indirect_dma source(%dma_start3A_328 : memref<250000x128xf32, #tpu.memory_space<hbm>>) target(%arg8 : memref<128x128xf32, #tpu.memory_space<vmem>>) offsets(%dma_start3A_325 : memref<128xi32, #tpu.memory_space<vmem>>) semaphore(%arg12 : memref<!tpu.dma_semaphore, #tpu.memory_space<semaphore_mem>>)
      } else {
      }
    }
    %scan3A_22 = arith.constant 65 : i32
    %add3A_23 = arith.constant 128 : i32
    %add3A_24 = arith.addi %mul3A_4, %add3A_23 : i32
    %jit3A = arith.constant 160 : i32
    %div3A = arith.divsi %add3A_24, %jit3A : i32
    %sign3A = arith.constant 0 : i32
    %sign3A_25 = arith.cmpi sgt, %add3A_24, %sign3A : i32
    %sign3A_26 = arith.extui %sign3A_25 : i1 to i32
    %sign3A_27 = arith.constant 0 : i32
    %sign3A_28 = arith.cmpi slt, %add3A_24, %sign3A_27 : i32
    %sign3A_29 = arith.extui %sign3A_28 : i1 to i32
    %sign3A_30 = arith.subi %sign3A_26, %sign3A_29 : i32
    %sign3A_31 = arith.constant 0 : i32
    %sign3A_32 = arith.cmpi sgt, %jit3A, %sign3A_31 : i32
    %sign3A_33 = arith.extui %sign3A_32 : i1 to i32
    %sign3A_34 = arith.constant 0 : i32
    %sign3A_35 = arith.cmpi slt, %jit3A, %sign3A_34 : i32
    %sign3A_36 = arith.extui %sign3A_35 : i1 to i32
    %sign3A_37 = arith.subi %sign3A_33, %sign3A_36 : i32
    %ne3A = arith.cmpi ne, %sign3A_30, %sign3A_37 : i32
    %rem3A = arith.remsi %add3A_24, %jit3A : i32
    %ne3A_38 = arith.constant 0 : i32
    %ne3A_39 = arith.cmpi ne, %rem3A, %ne3A_38 : i32
    %and3A = arith.andi %ne3A, %ne3A_39 : i1
    %sub3A = arith.constant 1 : i32
    %sub3A_40 = arith.subi %div3A, %sub3A : i32
    %select_n3A = arith.select %and3A, %sub3A_40, %div3A : i32
    %mul3A_41 = arith.constant 160 : i32
    %mul3A_42 = arith.muli %select_n3A, %mul3A_41 : i32
    %sub3A_43 = arith.subi %add3A_24, %mul3A_42 : i32
    %jit3A_44 = arith.constant 8 : i32
    %div3A_45 = arith.divsi %sub3A_43, %jit3A_44 : i32
    %sign3A_46 = arith.constant 0 : i32
    %sign3A_47 = arith.cmpi sgt, %sub3A_43, %sign3A_46 : i32
    %sign3A_48 = arith.extui %sign3A_47 : i1 to i32
    %sign3A_49 = arith.constant 0 : i32
    %sign3A_50 = arith.cmpi slt, %sub3A_43, %sign3A_49 : i32
    %sign3A_51 = arith.extui %sign3A_50 : i1 to i32
    %sign3A_52 = arith.subi %sign3A_48, %sign3A_51 : i32
    %sign3A_53 = arith.constant 0 : i32
    %sign3A_54 = arith.cmpi sgt, %jit3A_44, %sign3A_53 : i32
    %sign3A_55 = arith.extui %sign3A_54 : i1 to i32
    %sign3A_56 = arith.constant 0 : i32
    %sign3A_57 = arith.cmpi slt, %jit3A_44, %sign3A_56 : i32
    %sign3A_58 = arith.extui %sign3A_57 : i1 to i32
    %sign3A_59 = arith.subi %sign3A_55, %sign3A_58 : i32
    %ne3A_60 = arith.cmpi ne, %sign3A_52, %sign3A_59 : i32
    %rem3A_61 = arith.remsi %sub3A_43, %jit3A_44 : i32
    %ne3A_62 = arith.constant 0 : i32
    %ne3A_63 = arith.cmpi ne, %rem3A_61, %ne3A_62 : i32
    %and3A_64 = arith.andi %ne3A_60, %ne3A_63 : i1
    %sub3A_65 = arith.constant 1 : i32
    %sub3A_66 = arith.subi %div3A_45, %sub3A_65 : i32
    %select_n3A_67 = arith.select %and3A_64, %sub3A_66, %div3A_45 : i32
    %mul3A_68 = arith.constant 8 : i32
    %mul3A_69 = arith.muli %select_n3A_67, %mul3A_68 : i32
    %sub3A_70 = arith.subi %sub3A_43, %mul3A_69 : i32
    %mul3A_71 = arith.constant 32 : i32
    %mul3A_72 = arith.muli %select_n3A, %mul3A_71 : i32
    %mul3A_73 = arith.constant 128 : i32
    %mul3A_74 = arith.muli %sub3A_70, %mul3A_73 : i32
    %dma_wait3A = tpu.memref_slice %arg4[%select_n3A_67, %mul3A_72, %mul3A_74] : memref<20x832x1024xf32, #tpu.memory_space<hbm>> -> memref<1x32x128xf32, #tpu.memory_space<hbm>>
    %dma_wait3A_75 = tpu.memref_squeeze %dma_wait3A : memref<1x32x128xf32, #tpu.memory_space<hbm>> -> memref<32x128xf32, #tpu.memory_space<hbm>>
    %dma_wait3A_76 = tpu.memref_slice %arg4[%select_n3A_67, %mul3A_72, %mul3A_74] : memref<20x832x1024xf32, #tpu.memory_space<hbm>> -> memref<1x32x128xf32, #tpu.memory_space<hbm>>
    %dma_wait3A_77 = tpu.memref_squeeze %dma_wait3A_76 : memref<1x32x128xf32, #tpu.memory_space<hbm>> -> memref<32x128xf32, #tpu.memory_space<hbm>>
    tpu.wait_dma2 semaphore(%arg13 : memref<!tpu.dma_semaphore, #tpu.memory_space<semaphore_mem>>) src(%arg9 : memref<32x128xf32, #tpu.memory_space<vmem>>) dst(%dma_wait3A_77 : memref<32x128xf32, #tpu.memory_space<hbm>>)
    %add3A_78 = arith.constant 129 : i32
    %add3A_79 = arith.addi %mul3A_4, %add3A_78 : i32
    %jit3A_80 = arith.constant 160 : i32
    %div3A_81 = arith.divsi %add3A_79, %jit3A_80 : i32
    %sign3A_82 = arith.constant 0 : i32
    %sign3A_83 = arith.cmpi sgt, %add3A_79, %sign3A_82 : i32
    %sign3A_84 = arith.extui %sign3A_83 : i1 to i32
    %sign3A_85 = arith.constant 0 : i32
    %sign3A_86 = arith.cmpi slt, %add3A_79, %sign3A_85 : i32
    %sign3A_87 = arith.extui %sign3A_86 : i1 to i32
    %sign3A_88 = arith.subi %sign3A_84, %sign3A_87 : i32
    %sign3A_89 = arith.constant 0 : i32
    %sign3A_90 = arith.cmpi sgt, %jit3A_80, %sign3A_89 : i32
    %sign3A_91 = arith.extui %sign3A_90 : i1 to i32
    %sign3A_92 = arith.constant 0 : i32
    %sign3A_93 = arith.cmpi slt, %jit3A_80, %sign3A_92 : i32
    %sign3A_94 = arith.extui %sign3A_93 : i1 to i32
    %sign3A_95 = arith.subi %sign3A_91, %sign3A_94 : i32
    %ne3A_96 = arith.cmpi ne, %sign3A_88, %sign3A_95 : i32
    %rem3A_97 = arith.remsi %add3A_79, %jit3A_80 : i32
    %ne3A_98 = arith.constant 0 : i32
    %ne3A_99 = arith.cmpi ne, %rem3A_97, %ne3A_98 : i32
    %and3A_100 = arith.andi %ne3A_96, %ne3A_99 : i1
    %sub3A_101 = arith.constant 1 : i32
    %sub3A_102 = arith.subi %div3A_81, %sub3A_101 : i32
    %select_n3A_103 = arith.select %and3A_100, %sub3A_102, %div3A_81 : i32
    %mul3A_104 = arith.constant 160 : i32
    %mul3A_105 = arith.muli %select_n3A_103, %mul3A_104 : i32
    %sub3A_106 = arith.subi %add3A_79, %mul3A_105 : i32
    %jit3A_107 = arith.constant 8 : i32
    %div3A_108 = arith.divsi %sub3A_106, %jit3A_107 : i32
    %sign3A_109 = arith.constant 0 : i32
    %sign3A_110 = arith.cmpi sgt, %sub3A_106, %sign3A_109 : i32
    %sign3A_111 = arith.extui %sign3A_110 : i1 to i32
    %sign3A_112 = arith.constant 0 : i32
    %sign3A_113 = arith.cmpi slt, %sub3A_106, %sign3A_112 : i32
    %sign3A_114 = arith.extui %sign3A_113 : i1 to i32
    %sign3A_115 = arith.subi %sign3A_111, %sign3A_114 : i32
    %sign3A_116 = arith.constant 0 : i32
    %sign3A_117 = arith.cmpi sgt, %jit3A_107, %sign3A_116 : i32
    %sign3A_118 = arith.extui %sign3A_117 : i1 to i32
    %sign3A_119 = arith.constant 0 : i32
    %sign3A_120 = arith.cmpi slt, %jit3A_107, %sign3A_119 : i32
    %sign3A_121 = arith.extui %sign3A_120 : i1 to i32
    %sign3A_122 = arith.subi %sign3A_118, %sign3A_121 : i32
    %ne3A_123 = arith.cmpi ne, %sign3A_115, %sign3A_122 : i32
    %rem3A_124 = arith.remsi %sub3A_106, %jit3A_107 : i32
    %ne3A_125 = arith.constant 0 : i32
    %ne3A_126 = arith.cmpi ne, %rem3A_124, %ne3A_125 : i32
    %and3A_127 = arith.andi %ne3A_123, %ne3A_126 : i1
    %sub3A_128 = arith.constant 1 : i32
    %sub3A_129 = arith.subi %div3A_108, %sub3A_128 : i32
    %select_n3A_130 = arith.select %and3A_127, %sub3A_129, %div3A_108 : i32
    %mul3A_131 = arith.constant 8 : i32
    %mul3A_132 = arith.muli %select_n3A_130, %mul3A_131 : i32
    %sub3A_133 = arith.subi %sub3A_106, %mul3A_132 : i32
    %mul3A_134 = arith.constant 32 : i32
    %mul3A_135 = arith.muli %select_n3A_103, %mul3A_134 : i32
    %mul3A_136 = arith.constant 128 : i32
    %mul3A_137 = arith.muli %sub3A_133, %mul3A_136 : i32
    %dma_wait3A_138 = tpu.memref_slice %arg4[%select_n3A_130, %mul3A_135, %mul3A_137] : memref<20x832x1024xf32, #tpu.memory_space<hbm>> -> memref<1x32x128xf32, #tpu.memory_space<hbm>>
    %dma_wait3A_139 = tpu.memref_squeeze %dma_wait3A_138 : memref<1x32x128xf32, #tpu.memory_space<hbm>> -> memref<32x128xf32, #tpu.memory_space<hbm>>
    %dma_wait3A_140 = tpu.memref_slice %arg4[%select_n3A_130, %mul3A_135, %mul3A_137] : memref<20x832x1024xf32, #tpu.memory_space<hbm>> -> memref<1x32x128xf32, #tpu.memory_space<hbm>>
    %dma_wait3A_141 = tpu.memref_squeeze %dma_wait3A_140 : memref<1x32x128xf32, #tpu.memory_space<hbm>> -> memref<32x128xf32, #tpu.memory_space<hbm>>
    tpu.wait_dma2 semaphore(%arg14 : memref<!tpu.dma_semaphore, #tpu.memory_space<semaphore_mem>>) src(%arg10 : memref<32x128xf32, #tpu.memory_space<vmem>>) dst(%dma_wait3A_141 : memref<32x128xf32, #tpu.memory_space<hbm>>)
    return
  }
}

</mosaic_0001>

<sc_bundles>
// kernel: kernel.3.cloned.1.call-start
scs
__scs_entry_jumppad:
0x0: {  	(pc) =	sbr.rel $0x88, $3  }
0x1: {  	(tag) =	ssettag $0x0;
	lr =	simm.s32 $0x1  }
0x2: {  	[smem:$0x3F9F] =	sst lr;
	_ =	strace $0xD0000000  }
0x3: {  	_ = 	snop  }
0x4: {  	_ = 	snop  }
0x5: {  	_ = 	snop  }
0x6: {  	_ = 	snop  }
0x7: {  	_ = 	snop  }
__scs_overlays_trampoline_lowered:
0x8: {  	[smem:$0x3FAE] =	sst s0  }
0x9: {  	[smem:$0x3FAF] =	sst s1  }
0xa: {  	[smem:$0x3FB0] =	sst s2  }
0xb: {  	[smem:$0x3FB1] =	sst s3  }
0xc: {  	[smem:$0x3FB2] =	sst s4  }
0xd: {  	[smem:$0x3FB3] =	sst s5  }
0xe: {  	[smem:$0x3FB4] =	sst s6  }
0xf: {  	[smem:$0x3FB5] =	sst s7  }
0x10: {  	[smem:$0x3FB6] =	sst s8  }
0x11: {  	[smem:$0x3FB7] =	sst s9;
	s0 =	simm.s32 @!p0 $0x0  }
0x12: {  	s1 =	sld [smem:$0x3F9D];
	s0 =	simm.s32 @p0 $0x1  }
0x13: {  	[smem:$0x3FB8] =	sst s0;
	s0 =	simm.s32 @!p1 $0x0  }
0x14: {  	s2 =	sld [smem:$0x3F9C];
	s0 =	simm.s32 @p1 $0x1  }
0x15: {  	[smem:$0x3FB9] =	sst s0;
	s0 =	simm.s32 @!p2 $0x0  }
0x16: {  	s3 =	sld [smem:$0x3FDB];
	s0 =	simm.s32 @p2 $0x1  }
0x17: {  	s4 =	simm.s32 $0x1BF5;
	[smem:$0x3FBB] =	sst s0  }
0x18: {  	s0 =	sld [smem:$0x3F9E];
	_ =	swait.ge [sflag:s4], $0x0  }
0x19: {  	s7 =	sld [smem:$0x3F9F]  }
0x1a: {  	s8 =	sadd.s32 $0xFFFFE003, lr  }
0x1b: {  	s9 =	sadd.s32 $0xFFFFFEF7, lr;
	s5 =	simm.s32 $0xFFFFFFFF;
	p2 =	slt.u32 s8, $0xFFFFF086  }
0x1c: {  	p1 =	slt.u32 s9, $0xF7A;
	s5 =	simm.s32 @!p2 $0x0  }
0x1d: {  	s5 =	simm.s32 @p1 $0x1;
	p0 =	seq.s32 s7, s2  }
0x1e: {  	s7 =	smul.u32 @!p0 $0xF7A, s2;
	p2 =	seq.s32 @!p0 s5, $0x0  }
0x1f: {  	s9 =	smul.u32 $0xF7A, s1;
	s8 =	simm.s32 @!p0 $0x1BF5;
	p2 =	por !p2, p0  }
0x20: {  	[sflag:s8] =	ssyncset.s32 @!p0 $0xFFFFF086;
	s6 =	sadd.s32 @!p0 s3, s7;
	s7 =	simm.s32 @!p0 $0x108  }
0x21: {  	s3 =	sadd.s32 s3, s9;
	s6 =	sadd.s32 @!p0 $0x88, s6;
	s7 =	simm.s32 @p2 $0x1082  }
0x22: {  	[simem:s7], [sflag:s8] =	dma.local @!p0 [hbm:s6], $0xF7A  }
0x23: {  	s9 =	sor.u32 $0xD0000000, s2;
	s6 =	simm.s32 $0x108;
	_ =	swait.ge @!p0 [sflag:s8], $0x0  }
0x24: {  	s3 =	sadd.s32 $0x88, s3;
	s6 =	simm.s32 @!p1 $0x1082;
	[sflag:s4] =	ssyncset.s32 $0xFFFFF086  }
0x25: {  	[simem:s6], [sflag:s4] =	dma.local [hbm:s3], $0xF7A  }
0x26: {  	[smem:$0x3F9F] =	sst s1;
	(tag) =	ssettag s2;
	_ =	strace s9  }
0x27: {  	s1 =	sld [smem:$0x3FAF]  }
0x28: {  	s2 =	sld [smem:$0x3FB0]  }
0x29: {  	s4 =	sld [smem:$0x3FB2]  }
0x2a: {  	p0 =	seq.s32 s5, $0x0;
	s5 =	sld [smem:$0x3FB3]  }
0x2b: {  	s6 =	sld [smem:$0x3FB4]  }
0x2c: {  	s7 =	sld [smem:$0x3FB5]  }
0x2d: {  	s3 =	simm.s32 $0x108;
	s8 =	sld [smem:$0x3FB6]  }
0x2e: {  	s3 =	simm.s32 @!p0 $0x1082;
	s9 =	sld [smem:$0x3FB7]  }
0x2f: {  	lr =	sadd.s32 s0, s3;
	s0 =	sld [smem:$0x3FAE]  }
0x30: {  	s3 =	sld [smem:$0x3FB1]  }
0x31: {  	[smem:$0x3FBA] =	sst s10  }
0x32: {  	s10 =	sld [smem:$0x3FB8];
	_ =	sdelay $0x3  }
0x33: {  	p0 =	seq.s32 s10, $0x1;
	s10 =	sld [smem:$0x3FBA];
	_ =	sdelay $0x3  }
0x34: {  	[smem:$0x3FBA] =	sst s10  }
0x35: {  	s10 =	sld [smem:$0x3FB9];
	_ =	sdelay $0x3  }
0x36: {  	p1 =	seq.s32 s10, $0x1;
	s10 =	sld [smem:$0x3FBA];
	_ =	sdelay $0x3  }
0x37: {  	[smem:$0x3FBA] =	sst s10  }
0x38: {  	s10 =	sld [smem:$0x3FBB]  }
0x39: {  	_ = 	snop;
	(pc) =	sbr.ind lr, $3  }
0x3a: {  	_ = 	snop  }
0x3b: {  	_ = 	snop  }
0x3c: {  	p2 =	seq.s32 s10, $0x1;
	s10 =	sld [smem:$0x3FBA]  }
0x3d: {  	_ =	shalt  }
0x3e: {  	_ =	shalt  }
0x3f: {  	_ =	shalt  }
0x40: {  	_ =	shalt  }
0x41: {  	_ =	shalt  }
0x42: {  	_ =	shalt  }
0x43: {  	_ =	shalt  }
0x44: {  	_ =	shalt  }
0x45: {  	_ =	shalt  }
0x46: {  	_ =	shalt  }
0x47: {  	_ =	shalt  }
0x48: {  	_ =	shalt  }
0x49: {  	_ =	shalt  }
0x4a: {  	_ =	shalt  }
0x4b: {  	_ =	shalt  }
0x4c: {  	_ =	shalt  }
0x4d: {  	_ =	shalt  }
0x4e: {  	_ =	shalt  }
0x4f: {  	_ =	shalt  }
0x50: {  	_ =	shalt  }
0x51: {  	_ =	shalt  }
0x52: {  	_ =	shalt  }
0x53: {  	_ =	shalt  }
0x54: {  	_ =	shalt  }
0x55: {  	_ =	shalt  }
0x56: {  	_ =	shalt  }
0x57: {  	_ =	shalt  }
0x58: {  	_ =	shalt  }
0x59: {  	_ =	shalt  }
0x5a: {  	_ =	shalt  }
0x5b: {  	_ =	shalt  }
0x5c: {  	_ =	shalt  }
0x5d: {  	_ =	shalt  }
0x5e: {  	_ =	shalt  }
0x5f: {  	_ =	shalt  }
0x60: {  	_ =	shalt  }
0x61: {  	_ =	shalt  }
0x62: {  	_ =	shalt  }
0x63: {  	_ =	shalt  }
0x64: {  	_ =	shalt  }
0x65: {  	_ =	shalt  }
0x66: {  	_ =	shalt  }
0x67: {  	_ =	shalt  }
0x68: {  	_ =	shalt  }
0x69: {  	_ =	shalt  }
0x6a: {  	_ =	shalt  }
0x6b: {  	_ =	shalt  }
0x6c: {  	_ =	shalt  }
0x6d: {  	_ =	shalt  }
0x6e: {  	_ =	shalt  }
0x6f: {  	_ =	shalt  }
0x70: {  	_ =	shalt  }
0x71: {  	_ =	shalt  }
0x72: {  	_ =	shalt  }
0x73: {  	_ =	shalt  }
0x74: {  	_ =	shalt  }
0x75: {  	_ =	shalt  }
0x76: {  	_ =	shalt  }
0x77: {  	_ =	shalt  }
0x78: {  	_ =	shalt  }
0x79: {  	_ =	shalt  }
0x7a: {  	_ =	shalt  }
0x7b: {  	_ =	shalt  }
0x7c: {  	_ =	shalt  }
0x7d: {  	_ =	shalt  }
0x7e: {  	_ =	shalt  }
0x7f: {  	_ =	shalt  }
0x80: {  	_ =	shalt  }
0x81: {  	_ =	shalt  }
0x82: {  	_ =	shalt  }
0x83: {  	_ =	shalt  }
0x84: {  	_ =	shalt  }
0x85: {  	_ =	shalt  }
0x86: {  	_ =	shalt  }
0x87: {  	_ =	shalt  }
.Lfunc_end0:
.L_simem_size_0:
called_computation_lowered:
.L_overlay_start_0:
0x88: {  	s2 =	sld [smem:$0x3FD9]  }
0x89: {  	s3 =	sld [smem:$0x3FFE];
	_ =	sdelay $0x1  }
0x8a: {  	s1 =	srdreg.scid  }
0x8b: {  	s0 =	sand.u32 $0x1, s1  }
0x8c: {  	s17 =	sshll.u32 s0, $0xA;
	s2 =	sadd.s32 s3, s2  }
0x8d: {  	s2 =	sadd.s32 s2, s17  }
0x8e: {  	[smem:$0x3FC6] =	sst s2  }
0x8f: {  	_ = 	snop  }
0x90: {  	s2 =	sld [smem:$0x3FD0];
	(tm) =	ssettm $0x1  }
0x91: {  	s18 =	sld [smem:$0x3FFB];
	_ =	sdelay $0x3  }
0x92: {  	_ =	strace s18  }
0x93: {  	s3 =	sld [smem:$0x3FFC];
	_ =	sdelay $0x3  }
0x94: {  	_ =	strace s3  }
0x95: {  	s3 =	sld [smem:$0x3FFD];
	_ =	sdelay $0x3  }
0x96: {  	_ =	strace s3  }
0x97: {  	_ =	strace $0x8FFFFFFF  }
0x98: {  	s19 =	sld [smem:$0x3FDB];
	_ =	sdelay $0x1  }
0x99: {  	s4 =	simm.s32 $_scs_section_size  }
0x9a: {  	s5 =	simm.s32 $_size__tile_overlayer_lowered;
	s6 =	simm.s32 $_tile_overlayer_lowered  }
0x9b: {  	s22 =	simm.s32 $0x1BFF;
	s21 =	sshll.u32 s6, $0x1;
	s3 =	sadd.s32 s4, s19  }
0x9c: {  	s7 =	simm.s32 $0x0;
	s20 =	sshll.u32 s5, $0x1;
	s5 =	sadd.s32 s21, s3  }
0x9d: {  	[timem:s7], [sflag:s22] =	dma.local [hbm:s5], s20  }
0x9e: {  	_ =	swait.ge [sflag:s22], s20  }
0x9f: {  	s4 =	ssub.s32 $0x0, s20;
	[sflag:s22] =	ssyncset.done $0x0  }
0xa0: {  	[sflag:s22] =	ssyncadd.s32 s4;
	_ =	sdelay $0x1  }
0xa1: {  	s23 =	simm.s32 $0x1B8B  }
0xa2: {  	_ =	swait.ge [sflag:s23], $0x1  }
0xa3: {  	[sflag:s23] =	ssyncset.done $0x0  }
0xa4: {  	s25 =	simm.s32 $0x1B8E;
	s24 =	sld [smem:$0x3FFE];
	[sflag:s23] =	ssyncadd.s32 $0xFFFFFFFF  }
0xa5: {  	s26 =	simm.s32 $execute0_lowered;
	[smem:$0x3FD2] =	sst s25  }
0xa6: {  	s5 =	sshll.u32 s26, $0x1;
	_ =	strace $0x80000046;
	[dreg:$0x1] =	wrdreg $0xFFFFFFFF  }
0xa7: {  	s28 =	simm.s32 $_size_execute0_lowered;
	s3 =	sadd.s32 s3, s5;
	[dreg:$0x0] =	wrdreg $0x0  }
0xa8: {  	s5 =	sshll.u32 s28, $0x1;
	[dreg:$0x2] =	wrdreg s3  }
0xa9: {  	[dreg:$0x3] =	wrdreg s5  }
0xaa: {  	[dreg:$0x4] =	wrdreg $0xC0  }
0xab: {  	_ =	task [dreg:s7], $0x5FFFF  }
0xac: {  	[dreg:$0x1] =	wrdreg $0xFFFFFFFF  }
0xad: {  	[dreg:$0x0] =	wrdreg $0x60  }
0xae: {  	[dreg:$0x2] =	wrdreg s24  }
0xaf: {  	[dreg:$0x3] =	wrdreg s2  }
0xb0: {  	[dreg:$0x4] =	wrdreg $0x9  }
0xb1: {  	_ =	task.clear_ibuf [dreg:s7], $0x5FFFF;
	_ =	strace $0x90000046  }
0xb2: {  	s29 =	simm.s32 $0x9;
	_ =	strace $0x80000048  }
0xb3: {  	_ =	swait.ge [sflag:s29], $0x1  }
0xb4: {  	[sflag:s29] =	ssyncadd.s32 $0xFFFFFFFF  }
0xb5: {  	_ =	strace $0x90000048  }
0xb6: {  	_ =	sfence  }
0xb7: {  	s30 =	sld [smem:$0x0];
	_ =	sdelay $0x2  }
0xb8: {  	s31 =	sshll.u32 s1, $0xD;
	s1 =	sshrl.u32 s1, $0x2  }
0xb9: {  	s3 =	sand.u32 $0x4000, s31;
	s1 =	sadd.s32 s1, s30  }
0xba: {  	s0 =	sor.u32 s3, s0;
	s1 =	sshll.u32 s1, $0x11  }
0xbb: {  	s0 =	sor.u32 s1, s0  }
0xbc: {  	s0 =	sadd.s32 $0x8F2B, s0  }
0xbd: {  	[sflag:s0] =	ssyncadd.remote.s32 $0x1  }
0xbe: {  	_ =	sfence.sel $0xFFFF  }
0xbf: {  	[dreg:$0x0] =	wrdreg $0xFFFFFFFF;
	(pc) =	sbr.abs _section_cstart, $3  }
0xc0: {  	[dreg:$0x1] =	wrdreg $0xFFFFFFFF  }
0xc1: {  	_ =	task.clear_ibuf [dreg:s7], $0x2FFFF;
	_ =	strace $0x9FFFFFFF  }
0xc2: {  	(tm) =	ssettm $0x7FFFFFFF  }
0xc3: {  	_ =	shalt  }
tec
execute0_lowered:
.L_overlay_start_1:
0x0: {  	(tag) =	ssettag $0x1  }
0x1: {  	s5 =	rddreg [dreg:$0x0];
	s1 =	srdreg.scid  }
0x2: {  	s0 =	stileid.u32;
	s2 =	rddreg [dreg:$0x1];
	s3 =	simm.s32 $0x0  }
0x3: {  	s10 =	simm.s32 $0x8200;
	s11 =	simm.s32 $0x4180;
	s12 =	simm.s32 $0xC200  }
0x4: {  	s13 =	simm.s32 $0x1;
	s14 =	simm.s32 $0x400;
	s15 =	simm.s32 $0x2000  }
0x5: {  	s16 =	simm.s32 $0x10200;
	s17 =	simm.s32 $0x2;
	s18 =	simm.s32 $0x4  }
0x6: {  	s19 =	simm.s32 $0x11200;
	s20 =	simm.s32 $0x3;
	s21 =	simm.s32 $0x80  }
0x7: {  	s22 =	simm.s32 $0x0;
	s4 =	sand.u32 $0x1, s1;
	s6 =	sshll.u32 s0, $0x1  }
.Ltmp0:
0x8: {  	s6 =	sor.u32 s4, s6;
	s8 =	ssub.s32 $0x2, s4;
	(pc) =	sbr.rel .LBB2_1-.Ltmp0, $4  }
0x9: {  	[smem:$0x7FF] =	sst s3;
	s7 =	smul.u32 $0x820, s6;
	s9 =	sshrl.u32 s8, $0x1  }
0xa: {  	_ =	strace $0x80000047;
	s4 =	sadd.s32 $0xF42A00, s5;
	s8 =	ssub.s32 s8, s9  }
0xb: {  	v0 =	vlaneseq.u32;
	s9 =	simm.s32 $0x4100;
	s7 =	sadd.s32 s7, s5;
	s5 =	smul.u32 $0x82, s6  }
0xc: {  	v0 =	vmul.u32 $0x80, v0;
	s6 =	sadd.s32 $0x600, s7;
	s7 =	smax.u32 s8, $0x1;
	s8 =	simm.s32 $0x5  }
.LBB2_14:
0xd: {  	s22 =	sadd.s32 $0x1, s22  }
0xe: {  	_ =	swait.ge [sflag:s20], $0x1000;
	p0 =	sne.s32 s22, s7  }
.Ltmp1:
0xf: {  	[sflag:s20] =	ssyncset.done $0x0;
	(pc) =	sbr.rel @!p0 .LBB2_15-.Ltmp1, $4  }
0x10: {  	[sflag:s20] =	ssyncadd.s32 $0xFFFFF000  }
0x11: {  	_ =	swait.ge [sflag:s18], $0x1000  }
0x12: {  	[sflag:s18] =	ssyncset.done $0x0  }
0x13: {  	[sflag:s18] =	ssyncadd.s32 $0xFFFFF000  }
.LBB2_1:
0x14: {  	[tilespmem:s3], [sflag:$0x5] =	stream.linear.gather [hbm4b:s6+s3], $0x4100, $0x38;
	[tilespmem:$0x12200] =	vst v63  }
0x15: {  	_ =	swait.ge [sflag:s8], $0x4100  }
0x16: {  	[sflag:s8] =	ssyncset.done $0x0  }
0x17: {  	s23 =	simm.s32 $0x0;
	[sflag:s8] =	ssyncadd.s32 $0xFFFFBF00  }
0x18: {  	s24 =	simm.s32 $0x40;
	v1 =	vld [tilespmem:s23+$0x0]  }
.LBB2_2:
0x19: {  	p0 =	sne.s32 s24, $0x103C0  }
.Ltmp2:
0x1a: {  	_ = 	snop;
	(pc) =	sbr.rel @p0 .LBB2_2-.Ltmp2, $3  }
0x1b: {  	_ =	sdelay $0x1  }
0x1c: {  	s25 =	sshra.s32 s24, $0x2;
	s24 =	sadd.s32 $0x40, s24;
	v2 =	vshrl.u32 v1, $0x2  }
0x1d: {  	v1 =	vld [tilespmem:s25+$0x0];
	[tilespmem:s23+$0x4100] =	vst v2;
	s23 =	smov.u32 s25  }
0x1e: {  	_ =	sdelay $0x3  }
0x1f: {  	v1 =	vshrl.u32 v1, $0x2  }
0x20: {  	[tilespmem:s23+$0x4100] =	vst v1;
	s23 =	simm.s32 $0x80  }
0x21: {  	[tilespmem:s10], [sflag:$0x1] =	stream.indirect.gather [hbm4b:s4+s23], $0x80, s9, s23, $0xb8;
	[tilespmem:$0x12200] =	vst v63  }
0x22: {  	s24 =	simm.s32 $0x0;
	s25 =	simm.s32 $0x0  }
0x23: {  	[tilespmem:s12], [sflag:$0x2] =	stream.indirect.gather [hbm4b:s4+s23], $0x80, s11, s23, $0xb8;
	[tilespmem:$0x12200] =	vst v63  }
.LBB2_4:
0x24: {  	_ =	swait.ge [sflag:s13], $0x4000  }
0x25: {  	p0 =	seq.s32 s25, $0x0;
	[sflag:s13] =	ssyncset.done $0x0  }
0x26: {  	s26 =	simm.s32 @!p0 $0x3;
	[sflag:s13] =	ssyncadd.s32 $0xFFFFC000  }
0x27: {  	s28 =	sshll.u32 s25, $0x1;
	_ =	swait.ge @!p0 [sflag:s26], $0x1000  }
0x28: {  	s29 =	simm.s32 $0x10A00;
	s30 =	smov.u32 s24;
	[sflag:s26] =	ssyncset.done @!p0 $0x0  }
0x29: {  	s31 =	simm.s32 $0x0;
	[sflag:s26] =	ssyncadd.s32 @!p0 $0xFFFFF000;
	s26 =	sshll.u32 s25, $0xA  }
.LBB2_5:
0x2a: {  	v1 =	vld [tilespmem:s30+$0x0];
	_ =	sdelay $0x3  }
0x2b: {  	v2 =	vmov s31  }
0x2c: {  	v2 =	vshll.u32 v2, $0x7;
	v1 =	vshll.u32 v1, $0x5  }
0x2d: {  	v2 =	vor.u32 v0, v2;
	v1 =	vand.u32 $0x60, v1  }
0x2e: {  	v1 =	vor.u32 v2, v1  }
0x2f: {  	v2 =	vor.u32 $0x1, v1  }
0x30: {  	v3 =	vor.u32 $0x2, v1  }
0x31: {  	v4 =	vor.u32 $0x3, v1  }
0x32: {  	v5 =	vor.u32 $0x4, v1  }
0x33: {  	v7 =	vor.u32 $0x5, v1;
	v6 =	vld.idx.msk [tilespmem:v1+s10+$0x0], $0xffff  }
0x34: {  	v8 =	vor.u32 $0x6, v1;
	v2 =	vld.idx.msk [tilespmem:v2+s10+$0x0], $0xffff  }
0x35: {  	v9 =	vor.u32 $0x7, v1;
	v3 =	vld.idx.msk [tilespmem:v3+s10+$0x0], $0xffff  }
0x36: {  	v10 =	vor.u32 $0x8, v1;
	v4 =	vld.idx.msk [tilespmem:v4+s10+$0x0], $0xffff  }
0x37: {  	v11 =	vor.u32 $0x9, v1;
	v5 =	vld.idx.msk [tilespmem:v5+s10+$0x0], $0xffff  }
0x38: {  	v12 =	vor.u32 $0xA, v1;
	v7 =	vld.idx.msk [tilespmem:v7+s10+$0x0], $0xffff  }
0x39: {  	v13 =	vor.u32 $0xB, v1;
	v8 =	vld.idx.msk [tilespmem:v8+s10+$0x0], $0xffff  }
0x3a: {  	v14 =	vor.u32 $0xC, v1;
	v9 =	vld.idx.msk [tilespmem:v9+s10+$0x0], $0xffff  }
0x3b: {  	v15 =	vor.u32 $0xD, v1;
	v10 =	vld.idx.msk [tilespmem:v10+s10+$0x0], $0xffff  }
0x3c: {  	v16 =	vor.u32 $0xE, v1;
	v11 =	vld.idx.msk [tilespmem:v11+s10+$0x0], $0xffff  }
0x3d: {  	v17 =	vor.u32 $0xF, v1;
	v12 =	vld.idx.msk [tilespmem:v12+s10+$0x0], $0xffff  }
0x3e: {  	v13 =	vld.idx.msk [tilespmem:v13+s10+$0x0], $0xffff  }
0x3f: {  	v14 =	vld.idx.msk [tilespmem:v14+s10+$0x0], $0xffff  }
0x40: {  	v15 =	vld.idx.msk [tilespmem:v15+s10+$0x0], $0xffff  }
0x41: {  	v16 =	vld.idx.msk [tilespmem:v16+s10+$0x0], $0xffff  }
0x42: {  	v17 =	vld.idx.msk [tilespmem:v17+s10+$0x0], $0xffff;
	[tilespmem:s29+$0xFFFFF800] =	vst v6  }
0x43: {  	[tilespmem:s29+$0xFFFFF880] =	vst v2  }
0x44: {  	[tilespmem:s29+$0xFFFFF900] =	vst v3  }
0x45: {  	[tilespmem:s29+$0xFFFFF980] =	vst v4  }
0x46: {  	[tilespmem:s29+$0xFFFFFA00] =	vst v5  }
0x47: {  	[tilespmem:s29+$0xFFFFFA80] =	vst v7  }
0x48: {  	[tilespmem:s29+$0xFFFFFB00] =	vst v8  }
0x49: {  	[tilespmem:s29+$0xFFFFFB80] =	vst v9  }
0x4a: {  	[tilespmem:s29+$0xFFFFFC00] =	vst v10  }
0x4b: {  	[tilespmem:s29+$0xFFFFFC80] =	vst v11  }
0x4c: {  	[tilespmem:s29+$0xFFFFFD00] =	vst v12  }
0x4d: {  	v51 =	vor.u32 $0x12, v1;
	[tilespmem:s29+$0xFFFFFD80] =	vst v13  }
0x4e: {  	v52 =	vor.u32 $0x13, v1;
	[tilespmem:s29+$0xFFFFFE00] =	vst v14  }
0x4f: {  	v53 =	vor.u32 $0x14, v1;
	[tilespmem:s29+$0xFFFFFE80] =	vst v15  }
0x50: {  	v54 =	vor.u32 $0x15, v1;
	[tilespmem:s29+$0xFFFFFF00] =	vst v16  }
0x51: {  	v55 =	vor.u32 $0x16, v1;
	[tilespmem:s29+$0xFFFFFF80] =	vst v17  }
0x52: {  	v56 =	vor.u32 $0x17, v1;
	v4 =	vld.idx.msk [tilespmem:v51+s10+$0x0], $0xffff  }
0x53: {  	v57 =	vor.u32 $0x18, v1;
	v5 =	vld.idx.msk [tilespmem:v52+s10+$0x0], $0xffff  }
0x54: {  	v58 =	vor.u32 $0x19, v1;
	v6 =	vld.idx.msk [tilespmem:v53+s10+$0x0], $0xffff  }
0x55: {  	v59 =	vor.u32 $0x1A, v1;
	v7 =	vld.idx.msk [tilespmem:v54+s10+$0x0], $0xffff  }
0x56: {  	v60 =	vor.u32 $0x1B, v1;
	v8 =	vld.idx.msk [tilespmem:v55+s10+$0x0], $0xffff  }
0x57: {  	v61 =	vor.u32 $0x1C, v1;
	v9 =	vld.idx.msk [tilespmem:v56+s10+$0x0], $0xffff  }
0x58: {  	v62 =	vor.u32 $0x1D, v1;
	v10 =	vld.idx.msk [tilespmem:v57+s10+$0x0], $0xffff  }
0x59: {  	v63 =	vor.u32 $0x1E, v1;
	v11 =	vld.idx.msk [tilespmem:v58+s10+$0x0], $0xffff  }
0x5a: {  	v2 =	vor.u32 $0x10, v1;
	v12 =	vld.idx.msk [tilespmem:v59+s10+$0x0], $0xffff  }
0x5b: {  	v3 =	vor.u32 $0x11, v1;
	v13 =	vld.idx.msk [tilespmem:v60+s10+$0x0], $0xffff  }
0x5c: {  	v1 =	vor.u32 $0x1F, v1;
	v14 =	vld.idx.msk [tilespmem:v61+s10+$0x0], $0xffff  }
0x5d: {  	v15 =	vld.idx.msk [tilespmem:v62+s10+$0x0], $0xffff  }
0x5e: {  	v16 =	vld.idx.msk [tilespmem:v63+s10+$0x0], $0xffff  }
0x5f: {  	v2 =	vld.idx.msk [tilespmem:v2+s10+$0x0], $0xffff  }
0x60: {  	v3 =	vld.idx.msk [tilespmem:v3+s10+$0x0], $0xffff  }
0x61: {  	v1 =	vld.idx.msk [tilespmem:v1+s10+$0x0], $0xffff;
	[tilespmem:s29+$0x100] =	vst v4  }
0x62: {  	[tilespmem:s29+$0x180] =	vst v5  }
0x63: {  	[tilespmem:s29+$0x200] =	vst v6  }
0x64: {  	[tilespmem:s29+$0x280] =	vst v7  }
0x65: {  	[tilespmem:s29+$0x300] =	vst v8  }
0x66: {  	[tilespmem:s29+$0x380] =	vst v9  }
0x67: {  	[tilespmem:s29+$0x400] =	vst v10  }
0x68: {  	[tilespmem:s29+$0x480] =	vst v11  }
0x69: {  	[tilespmem:s29+$0x500] =	vst v12  }
0x6a: {  	[tilespmem:s29+$0x580] =	vst v13  }
0x6b: {  	p1 =	sne.s32 s31, $0x70;
	[tilespmem:s29+$0x600] =	vst v14  }
.Ltmp3:
0x6c: {  	[tilespmem:s29+$0x680] =	vst v15;
	(pc) =	sbr.rel @p1 .LBB2_5-.Ltmp3, $4  }
0x6d: {  	[tilespmem:s29+$0x700] =	vst v16  }
0x6e: {  	[tilespmem:s29+$0x0] =	vst v2  }
0x6f: {  	[tilespmem:s29+$0x80] =	vst v3  }
0x70: {  	s30 =	sadd.s32 $0x10, s30;
	s31 =	sadd.s32 $0x10, s31;
	[tilespmem:s29+$0x780] =	vst v1;
	s29 =	sadd.s32 $0x10, s29  }
0x71: {  	s29 =	sadd.s32 s5, s28  }
0x72: {  	s30 =	smulhi.u32 $0x66666667, s29;
	_ =	sdelay $0x1  }
0x73: {  	s30 =	sshrl.u32 s30, $0x6  }
0x74: {  	s31 =	smul.u32 $0xFFFFFF60, s30;
	_ =	sdelay $0x1  }
0x75: {  	s31 =	sadd.s32 s29, s31;
	s29 =	sand.u32 $0x6, s29  }
0x76: {  	s1 =	sshra.s32 s31, $0x1F;
	p1 =	slt.s32 s31, $0x1;
	p2 =	sne.s32 s29, $0x0  }
0x77: {  	s1 =	sshrl.u32 s1, $0x1D;
	p1 =	por !p2, !p1  }
0x78: {  	s29 =	simm.s32 $0x1;
	s1 =	sadd.s32 s1, s31;
	p1 =	por !p1, !p1  }
0x79: {  	s1 =	sshra.s32 s1, $0x3;
	s29 =	simm.s32 @!p1 $0x0  }
0x7a: {  	s1 =	ssub.s32 s1, s29  }
0x7b: {  	s30 =	sshll.u32 s30, $0xF;
	s31 =	sshll.u32 s31, $0xA;
	s29 =	smul.u32 $0xD0000, s1  }
0x7c: {  	s30 =	sadd.s32 s30, s31;
	p1 =	sne.s32 s25, $0x40  }
.Ltmp4:
0x7d: {  	s1 =	sshll.u32 s1, $0xD;
	s29 =	sadd.s32 s29, s30;
	(pc) =	sbr.rel @p1 .LBB2_8-.Ltmp4, $4  }
0x7e: {  	s1 =	ssub.s32 s29, s1  }
0x7f: {  	s1 =	sshrl.u32 s1, $0x3  }
0x80: {  	s1 =	sadd.s32 s2, s1  }
0x81: {  	[hbm4b:s1+s14] =	stream.strided.scatter [tilespmem:s16], [sflag:$0x3], $0x1000, s15, s14, $0x38;
	[tilespmem:$0x12200] =	vst v63  }
.Ltmp5:
0x82: {  	(pc) =	sbr.rel .LBB2_9-.Ltmp5, $4  }
0x83: {  	_ = 	snop  }
0x84: {  	_ =	swait.ge [sflag:s17], $0x4000  }
0x85: {  	[sflag:s17] =	ssyncset.done $0x0  }
0x86: {  	[sflag:s17] =	ssyncadd.s32 $0xFFFFC000  }
.LBB2_8:
0x87: {  	s1 =	sshrl.u32 s26, $0x2  }
.Ltmp6:
0x88: {  	s1 =	sadd.s32 $0x4200, s1;
	(pc) =	sbr.rel @p0 .LBB2_10-.Ltmp6, $4  }
0x89: {  	[tilespmem:s10], [sflag:$0x1] =	stream.indirect.gather [hbm4b:s4+s21], $0x80, s1, s21, $0xb8;
	[tilespmem:$0x12200] =	vst v63  }
0x8a: {  	_ =	swait.ge [sflag:s17], $0x4000  }
0x8b: {  	[sflag:s17] =	ssyncset.done $0x0  }
0x8c: {  	[sflag:s17] =	ssyncadd.s32 $0xFFFFC000  }
.LBB2_9:
0x8d: {  	_ =	swait.ge [sflag:s18], $0x1000  }
0x8e: {  	[sflag:s18] =	ssyncset.done $0x0  }
0x8f: {  	[sflag:s18] =	ssyncadd.s32 $0xFFFFF000  }
.LBB2_10:
0x90: {  	s28 =	sor.u32 $0x1, s28  }
0x91: {  	s29 =	simm.s32 $0x0;
	s30 =	simm.s32 $0x11A00;
	s31 =	smov.u32 s23  }
.LBB2_11:
0x92: {  	v1 =	vld [tilespmem:s31+$0x0];
	_ =	sdelay $0x3  }
0x93: {  	v2 =	vmov s29  }
0x94: {  	v2 =	vshll.u32 v2, $0x7;
	v1 =	vshll.u32 v1, $0x5  }
0x95: {  	v2 =	vor.u32 v0, v2;
	v1 =	vand.u32 $0x60, v1  }
0x96: {  	v1 =	vor.u32 v2, v1  }
0x97: {  	v2 =	vor.u32 $0x1, v1  }
0x98: {  	v3 =	vor.u32 $0x2, v1  }
0x99: {  	v4 =	vor.u32 $0x3, v1  }
0x9a: {  	v5 =	vor.u32 $0x4, v1  }
0x9b: {  	v7 =	vor.u32 $0x5, v1;
	v6 =	vld.idx.msk [tilespmem:v1+s12+$0x0], $0xffff  }
0x9c: {  	v8 =	vor.u32 $0x6, v1;
	v2 =	vld.idx.msk [tilespmem:v2+s12+$0x0], $0xffff  }
0x9d: {  	v9 =	vor.u32 $0x7, v1;
	v3 =	vld.idx.msk [tilespmem:v3+s12+$0x0], $0xffff  }
0x9e: {  	v10 =	vor.u32 $0x8, v1;
	v4 =	vld.idx.msk [tilespmem:v4+s12+$0x0], $0xffff  }
0x9f: {  	v11 =	vor.u32 $0x9, v1;
	v5 =	vld.idx.msk [tilespmem:v5+s12+$0x0], $0xffff  }
0xa0: {  	v12 =	vor.u32 $0xA, v1;
	v7 =	vld.idx.msk [tilespmem:v7+s12+$0x0], $0xffff  }
0xa1: {  	v13 =	vor.u32 $0xB, v1;
	v8 =	vld.idx.msk [tilespmem:v8+s12+$0x0], $0xffff  }
0xa2: {  	v14 =	vor.u32 $0xC, v1;
	v9 =	vld.idx.msk [tilespmem:v9+s12+$0x0], $0xffff  }
0xa3: {  	v15 =	vor.u32 $0xD, v1;
	v10 =	vld.idx.msk [tilespmem:v10+s12+$0x0], $0xffff  }
0xa4: {  	v16 =	vor.u32 $0xE, v1;
	v11 =	vld.idx.msk [tilespmem:v11+s12+$0x0], $0xffff  }
0xa5: {  	v17 =	vor.u32 $0xF, v1;
	v12 =	vld.idx.msk [tilespmem:v12+s12+$0x0], $0xffff  }
0xa6: {  	v13 =	vld.idx.msk [tilespmem:v13+s12+$0x0], $0xffff  }
0xa7: {  	v14 =	vld.idx.msk [tilespmem:v14+s12+$0x0], $0xffff  }
0xa8: {  	v15 =	vld.idx.msk [tilespmem:v15+s12+$0x0], $0xffff  }
0xa9: {  	v16 =	vld.idx.msk [tilespmem:v16+s12+$0x0], $0xffff  }
0xaa: {  	v17 =	vld.idx.msk [tilespmem:v17+s12+$0x0], $0xffff;
	[tilespmem:s30+$0xFFFFF800] =	vst v6  }
0xab: {  	[tilespmem:s30+$0xFFFFF880] =	vst v2  }
0xac: {  	[tilespmem:s30+$0xFFFFF900] =	vst v3  }
0xad: {  	[tilespmem:s30+$0xFFFFF980] =	vst v4  }
0xae: {  	[tilespmem:s30+$0xFFFFFA00] =	vst v5  }
0xaf: {  	[tilespmem:s30+$0xFFFFFA80] =	vst v7  }
0xb0: {  	[tilespmem:s30+$0xFFFFFB00] =	vst v8  }
0xb1: {  	[tilespmem:s30+$0xFFFFFB80] =	vst v9  }
0xb2: {  	[tilespmem:s30+$0xFFFFFC00] =	vst v10  }
0xb3: {  	[tilespmem:s30+$0xFFFFFC80] =	vst v11  }
0xb4: {  	[tilespmem:s30+$0xFFFFFD00] =	vst v12  }
0xb5: {  	v51 =	vor.u32 $0x12, v1;
	[tilespmem:s30+$0xFFFFFD80] =	vst v13  }
0xb6: {  	v52 =	vor.u32 $0x13, v1;
	[tilespmem:s30+$0xFFFFFE00] =	vst v14  }
0xb7: {  	v53 =	vor.u32 $0x14, v1;
	[tilespmem:s30+$0xFFFFFE80] =	vst v15  }
0xb8: {  	v54 =	vor.u32 $0x15, v1;
	[tilespmem:s30+$0xFFFFFF00] =	vst v16  }
0xb9: {  	v55 =	vor.u32 $0x16, v1;
	[tilespmem:s30+$0xFFFFFF80] =	vst v17  }
0xba: {  	v56 =	vor.u32 $0x17, v1;
	v4 =	vld.idx.msk [tilespmem:v51+s12+$0x0], $0xffff  }
0xbb: {  	v57 =	vor.u32 $0x18, v1;
	v5 =	vld.idx.msk [tilespmem:v52+s12+$0x0], $0xffff  }
0xbc: {  	v58 =	vor.u32 $0x19, v1;
	v6 =	vld.idx.msk [tilespmem:v53+s12+$0x0], $0xffff  }
0xbd: {  	v59 =	vor.u32 $0x1A, v1;
	v7 =	vld.idx.msk [tilespmem:v54+s12+$0x0], $0xffff  }
0xbe: {  	v60 =	vor.u32 $0x1B, v1;
	v8 =	vld.idx.msk [tilespmem:v55+s12+$0x0], $0xffff  }
0xbf: {  	v61 =	vor.u32 $0x1C, v1;
	v9 =	vld.idx.msk [tilespmem:v56+s12+$0x0], $0xffff  }
0xc0: {  	v62 =	vor.u32 $0x1D, v1;
	v10 =	vld.idx.msk [tilespmem:v57+s12+$0x0], $0xffff  }
0xc1: {  	v63 =	vor.u32 $0x1E, v1;
	v11 =	vld.idx.msk [tilespmem:v58+s12+$0x0], $0xffff  }
0xc2: {  	v2 =	vor.u32 $0x10, v1;
	v12 =	vld.idx.msk [tilespmem:v59+s12+$0x0], $0xffff  }
0xc3: {  	v3 =	vor.u32 $0x11, v1;
	v13 =	vld.idx.msk [tilespmem:v60+s12+$0x0], $0xffff  }
0xc4: {  	v1 =	vor.u32 $0x1F, v1;
	v14 =	vld.idx.msk [tilespmem:v61+s12+$0x0], $0xffff  }
0xc5: {  	v15 =	vld.idx.msk [tilespmem:v62+s12+$0x0], $0xffff  }
0xc6: {  	v16 =	vld.idx.msk [tilespmem:v63+s12+$0x0], $0xffff  }
0xc7: {  	v2 =	vld.idx.msk [tilespmem:v2+s12+$0x0], $0xffff  }
0xc8: {  	v3 =	vld.idx.msk [tilespmem:v3+s12+$0x0], $0xffff  }
0xc9: {  	v1 =	vld.idx.msk [tilespmem:v1+s12+$0x0], $0xffff;
	[tilespmem:s30+$0x100] =	vst v4  }
0xca: {  	[tilespmem:s30+$0x180] =	vst v5  }
0xcb: {  	[tilespmem:s30+$0x200] =	vst v6  }
0xcc: {  	[tilespmem:s30+$0x280] =	vst v7  }
0xcd: {  	[tilespmem:s30+$0x300] =	vst v8  }
0xce: {  	[tilespmem:s30+$0x380] =	vst v9  }
0xcf: {  	[tilespmem:s30+$0x400] =	vst v10  }
0xd0: {  	[tilespmem:s30+$0x480] =	vst v11  }
0xd1: {  	[tilespmem:s30+$0x500] =	vst v12  }
0xd2: {  	[tilespmem:s30+$0x580] =	vst v13  }
0xd3: {  	p0 =	sne.s32 s29, $0x70;
	[tilespmem:s30+$0x600] =	vst v14  }
.Ltmp7:
0xd4: {  	[tilespmem:s30+$0x680] =	vst v15;
	(pc) =	sbr.rel @p0 .LBB2_11-.Ltmp7, $4  }
0xd5: {  	[tilespmem:s30+$0x700] =	vst v16  }
0xd6: {  	[tilespmem:s30+$0x0] =	vst v2  }
0xd7: {  	[tilespmem:s30+$0x80] =	vst v3  }
0xd8: {  	s31 =	sadd.s32 $0x10, s31;
	s29 =	sadd.s32 $0x10, s29;
	[tilespmem:s30+$0x780] =	vst v1;
	s30 =	sadd.s32 $0x10, s30  }
0xd9: {  	s1 =	sadd.s32 s5, s28  }
0xda: {  	s28 =	smulhi.u32 $0x66666667, s1;
	_ =	sdelay $0x1  }
0xdb: {  	s28 =	sshrl.u32 s28, $0x6  }
0xdc: {  	s29 =	smul.u32 $0xFFFFFF60, s28;
	_ =	sdelay $0x1  }
0xdd: {  	s1 =	sadd.s32 s1, s29  }
0xde: {  	s29 =	sshra.s32 s1, $0x1F  }
0xdf: {  	s30 =	sshrl.u32 s29, $0x1D  }
0xe0: {  	s30 =	sadd.s32 s30, s1  }
0xe1: {  	s30 =	sshra.s32 s30, $0x3  }
0xe2: {  	s29 =	sadd.s32 s29, s30  }
0xe3: {  	s28 =	sshll.u32 s28, $0xF;
	s1 =	sshll.u32 s1, $0xA;
	s30 =	smul.u32 $0xD0000, s29  }
0xe4: {  	p0 =	seq.s32 s25, $0x40;
	s1 =	sadd.s32 s28, s1  }
.Ltmp8:
0xe5: {  	s31 =	sshll.u32 s29, $0xD;
	s1 =	sadd.s32 s30, s1;
	(pc) =	sbr.rel @p0 .LBB2_14-.Ltmp8, $4  }
0xe6: {  	s1 =	ssub.s32 s1, s31  }
0xe7: {  	s1 =	sshrl.u32 s1, $0x3  }
0xe8: {  	s1 =	sadd.s32 s2, s1  }
0xe9: {  	[hbm4b:s1+s14] =	stream.strided.scatter [tilespmem:s19], [sflag:$0x4], $0x1000, s15, s14, $0x38;
	[tilespmem:$0x12200] =	vst v63  }
.Ltmp9:
0xea: {  	(pc) =	sbr.rel .LBB2_4-.Ltmp9, $4  }
0xeb: {  	_ = 	snop  }
0xec: {  	s1 =	sshrl.u32 s26, $0x2;
	s25 =	sadd.s32 $0x1, s25  }
0xed: {  	s24 =	sadd.s32 $0x100, s24;
	s23 =	sadd.s32 $0x100, s23;
	s1 =	sadd.s32 $0x4280, s1  }
0xee: {  	[tilespmem:s12], [sflag:$0x2] =	stream.indirect.gather [hbm4b:s4+s21], $0x80, s1, s21, $0xb8;
	[tilespmem:$0x12200] =	vst v63  }
.LBB2_15:
0xef: {  	_ =	sfence.sel $0x180000  }
0xf0: {  	[bflag:$0x0] =	sbarrier.arrive $0xFFFF  }
0xf1: {  	_ =	strace $0x90000047  }
0xf2: {  	[bflag:$0x2] =	sbarrier.arrive $0xFFFF  }
0xf3: {  	p0 =	sne.s32 s0, $0x0;
	s0 =	rddreg [dreg:$0x2]  }
0xf4: {  	s0 =	sadd.s32 @!p0 $0x100000, s0  }
0xf5: {  	[sflag:s0] =	ssyncadd.tile.s32 @!p0 $0x1;
	_ =	shalt  }
.Lfunc_end2:
_tile_overlayer_lowered:
.L_overlay_start_2:
0xf6: {  	(tag) =	ssettag $0x2  }
0xf7: {  	s0 =	rddreg [dreg:$0x0];
	s2 =	stileid.u32  }
0xf8: {  	s1 =	rddreg [dreg:$0x1];
	p0 =	sne.s32 s2, $0x0  }
0xf9: {  	s3 =	rddreg [dreg:$0x2];
	[bflag:$0x3] =	sbarrier.arrive $0xFFFF;
	s2 =	simm.s32 @!p0 $0x1C05  }
0xfa: {  	[timem:s3], [sflag:s2] =	dma.local @!p0 [hbm:s0], s1  }
0xfb: {  	s0 =	simm.s32 @!p0 $0x5  }
0xfc: {  	_ =	swait.ge @!p0 [sflag:s0], s1  }
0xfd: {  	s1 =	ssub.s32 @!p0 $0x0, s1;
	[sflag:s0] =	ssyncset.done @!p0 $0x0  }
0xfe: {  	[sflag:s0] =	ssyncadd.s32 @!p0 s1  }
0xff: {  	[bflag:$0x3] =	sbarrier.arrive $0xFFFF  }
0x100: {  	_ =	shalt  }

</sc_bundles>
